<compile_context>
chip_gen: v7x
topology: tpu7x:2x2x1
jax: 0.10.2.dev20260603
libtpu: 0.0.44.dev20260713+nightly
codegen_flags: <defaults>
</compile_context>

<pallas_src>
import jax
import jax.numpy as jnp
from jax import lax
from jax.experimental import pallas as pl
from jax.experimental.pallas import tpu as pltpu
from jax.experimental.pallas import tpu_sc as plsc

N = 10000
E = 320000
NW = 32
CHUNK = 256
EC = E // CHUNK
WCH = EC // NW
C = WCH + 1
N_ACC = 10112
ROWS_PER_TILE = N_ACC // 16
N8 = N + 16
Y_ROWS_PER_TILE = N8 // 16


def _make_sc_agg(dw, stage_y):
  mesh = plsc.VectorSubcoreMesh(core_axis_name="c", subcore_axis_name="s")

  def body(y_hbm, edges_hbm, z_hbm, out_hbm, src_v, dst_v, rows_v,
           acc, y_spm, gsem):
    c = lax.axis_index("c")
    s = lax.axis_index("s")
    wid = s * 2 + c
    r0 = s * ROWS_PER_TILE
    stage = [(z_hbm.at[pl.ds(r0, ROWS_PER_TILE)],
              acc.at[pl.ds(r0, ROWS_PER_TILE)]),
             (edges_hbm.at[0, pl.ds(wid * WCH, WCH)],
              src_v.at[pl.ds(0, WCH)]),
             (edges_hbm.at[1, pl.ds(wid * WCH, WCH)],
              dst_v.at[pl.ds(0, WCH)])]
    if stage_y:
      y0 = s * Y_ROWS_PER_TILE
      stage.append((y_hbm.at[pl.ds(y0, Y_ROWS_PER_TILE)],
                    y_spm.at[pl.ds(y0, Y_ROWS_PER_TILE)]))
      y_src = y_spm
    else:
      y_src = y_hbm
    for src, dst in stage:
      pltpu.async_copy(src, dst, gsem)
    lax.cond(
        wid < EC - NW * WCH,
        lambda: (pltpu.sync_copy(edges_hbm.at[0, NW * WCH + wid],
                                 src_v.at[WCH]),
                 pltpu.sync_copy(edges_hbm.at[1, NW * WCH + wid],
                                 dst_v.at[WCH]))[0],
        lambda: None)
    nch = WCH + jnp.where(wid < EC - NW * WCH, 1, 0)
    for src, dst in stage:
      pltpu.make_async_copy(src, dst, gsem).wait()
    plsc.subcore_barrier()

    def step(j, carry):
      pltpu.async_copy(y_src.at[src_v.at[j]], rows_v, gsem).wait()
      pltpu.sync_copy(rows_v, acc.at[dst_v.at[j]], add=True)
      return carry

    lax.fori_loop(0, nch, step, 0)

    plsc.subcore_barrier()
    pltpu.sync_copy(acc.at[pl.ds(r0, ROWS_PER_TILE)],
                    out_hbm.at[c, pl.ds(r0, ROWS_PER_TILE)])

  scratch = [
      pltpu.VMEM((C, CHUNK), jnp.int32),
      pltpu.VMEM((C, CHUNK), jnp.int32),
      pltpu.VMEM((CHUNK, dw), jnp.float32),
      pltpu.VMEM_SHARED((N_ACC, dw), jnp.float32),
      pltpu.VMEM_SHARED((N8, dw) if stage_y else (8, dw), jnp.float32),
      pltpu.SemaphoreType.DMA,
  ]
  return pl.kernel(
      body,
      out_type=jax.ShapeDtypeStruct((2, N_ACC, dw), jnp.float32),
      mesh=mesh,
      compiler_params=pltpu.CompilerParams(use_tc_tiling_on_sc=False),
      scratch_types=scratch,
  )


_sc_agg_32 = _make_sc_agg(32, stage_y=True)
_sc_agg_16 = _make_sc_agg(16, stage_y=True)


def _make_sc_agg1():
  mesh = plsc.VectorSubcoreMesh(core_axis_name="c", subcore_axis_name="s")

  def body(y_hbm, edges_hbm, z_hbm, agg_out, cnt_out, src_v, dst_v,
           rows_v, cnt_v, acc, y_spm, gsem):
    c = lax.axis_index("c")
    s = lax.axis_index("s")
    wid = s * 2 + c
    r0 = s * ROWS_PER_TILE
    y0 = s * Y_ROWS_PER_TILE
    stage = [(z_hbm.at[pl.ds(r0, ROWS_PER_TILE)],
              acc.at[pl.ds(r0, ROWS_PER_TILE)]),
             (y_hbm.at[pl.ds(y0, Y_ROWS_PER_TILE)],
              y_spm.at[pl.ds(y0, Y_ROWS_PER_TILE)]),
             (edges_hbm.at[0, pl.ds(wid * WCH, WCH)],
              src_v.at[pl.ds(0, WCH)]),
             (edges_hbm.at[1, pl.ds(wid * WCH, WCH)],
              dst_v.at[pl.ds(0, WCH)])]
    for src, dst in stage:
      pltpu.async_copy(src, dst, gsem)
    lax.cond(
        wid < EC - NW * WCH,
        lambda: (pltpu.sync_copy(edges_hbm.at[0, NW * WCH + wid],
                                 src_v.at[WCH]),
                 pltpu.sync_copy(edges_hbm.at[1, NW * WCH + wid],
                                 dst_v.at[WCH]))[0],
        lambda: None)
    nch = WCH + jnp.where(wid < EC - NW * WCH, 1, 0)

    def zero_cnt(i, carry):
      cnt_v[pl.ds(16 * i, 16)] = jnp.zeros((16,), jnp.float32)
      return carry

    lax.fori_loop(0, N8 // 16, zero_cnt, 0)
    for src, dst in stage:
      pltpu.make_async_copy(src, dst, gsem).wait()
    plsc.subcore_barrier()

    ones16 = jnp.full((16,), 1.0, jnp.float32)

    def step(j, carry):
      cp = pltpu.async_copy(y_spm.at[src_v.at[j]], rows_v, gsem)
      drow = dst_v.at[j]
      for k in range(CHUNK // 16):
        idx = drow[pl.ds(16 * k, 16)]
        plsc.addupdate_scatter(cnt_v, [idx], ones16)
      cp.wait()
      pltpu.sync_copy(rows_v, acc.at[dst_v.at[j]], add=True)
      return carry

    lax.fori_loop(0, nch, step, 0)
    pltpu.sync_copy(cnt_v, cnt_out.at[wid])
    plsc.subcore_barrier()
    pltpu.sync_copy(acc.at[pl.ds(r0, ROWS_PER_TILE)],
                    agg_out.at[c, pl.ds(r0, ROWS_PER_TILE)])

  return pl.kernel(
      body,
      out_type=(jax.ShapeDtypeStruct((2, N_ACC, 64), jnp.float32),
                jax.ShapeDtypeStruct((NW, N8), jnp.float32)),
      mesh=mesh,
      compiler_params=pltpu.CompilerParams(use_tc_tiling_on_sc=False,
                                           needs_layout_passes=False),
      scratch_types=[
          pltpu.VMEM((C, CHUNK), jnp.int32),
          pltpu.VMEM((C, CHUNK), jnp.int32),
          pltpu.VMEM((CHUNK, 64), jnp.float32),
          pltpu.VMEM((N8,), jnp.float32),
          pltpu.VMEM_SHARED((N_ACC, 64), jnp.float32),
          pltpu.VMEM_SHARED((N8, 64), jnp.float32),
          pltpu.SemaphoreType.DMA,
      ],
  )


_sc_agg1 = _make_sc_agg1()


def _tc0_body(x_ref, w_ref, o_ref):
  y = jnp.dot(x_ref[...], w_ref[...], preferred_element_type=jnp.float32)
  o_ref[...] = jnp.concatenate([y, jnp.zeros((16, 64), jnp.float32)], axis=0)


_tc0 = pl.pallas_call(
    _tc0_body, out_shape=jax.ShapeDtypeStruct((N8, 64), jnp.float32))


def _tcr_body(h_ref, w_ref, b_ref, r_ref):
  r_ref[...] = jnp.dot(h_ref[...], w_ref[...],
                       preferred_element_type=jnp.float32) + b_ref[...]


_tcr = pl.pallas_call(
    _tcr_body, out_shape=jax.ShapeDtypeStruct((N, 64), jnp.float32))


def _tc1_body(agg_ref, cnts_ref, r1_ref, wl2_ref, wr2_ref, b2_ref,
              y2_ref, r2_ref, cnt_ref):
  a = agg_ref[0, :N] + agg_ref[1, :N]
  ccol = lax.dot_general(cnts_ref[...], jnp.ones((NW, 1), jnp.float32),
                         dimension_numbers=(((0,), (0,)), ((), ())))
  cnt = jnp.maximum(ccol[:N], 1.0)
  h = jnp.maximum(a / cnt + r1_ref[...], 0.0)
  y2 = jnp.dot(h, wl2_ref[...], preferred_element_type=jnp.float32)
  y2_ref[...] = jnp.concatenate([y2, jnp.zeros((16, 32), jnp.float32)], axis=0)
  r2_ref[...] = jnp.dot(h, wr2_ref[...],
                        preferred_element_type=jnp.float32) + b2_ref[...]
  cnt_ref[...] = cnt


_tc1 = pl.pallas_call(
    _tc1_body,
    out_shape=(
        jax.ShapeDtypeStruct((N8, 32), jnp.float32),
        jax.ShapeDtypeStruct((N, 32), jnp.float32),
        jax.ShapeDtypeStruct((N, 1), jnp.float32),
    ))


def _tc2_body(agg_ref, r2_ref, cnt_ref, wl3_ref, wr3_ref, b3_ref,
              y3_ref, r3_ref):
  a = agg_ref[0, :N] + agg_ref[1, :N]
  h = jnp.maximum(a / cnt_ref[...] + r2_ref[...], 0.0)
  y3 = jnp.dot(h, wl3_ref[...], preferred_element_type=jnp.float32)
  y3_ref[...] = jnp.concatenate([y3, jnp.zeros((16, 16), jnp.float32)], axis=0)
  r3_ref[...] = jnp.dot(h, wr3_ref[...],
                        preferred_element_type=jnp.float32) + b3_ref[...]


_tc2 = pl.pallas_call(
    _tc2_body,
    out_shape=(
        jax.ShapeDtypeStruct((N8, 16), jnp.float32),
        jax.ShapeDtypeStruct((N, 16), jnp.float32),
    ))


def _tc3_body(agg_ref, r3_ref, cnt_ref, wh_ref, bh_ref, o_ref):
  a = agg_ref[0, :N] + agg_ref[1, :N]
  h = jnp.maximum(a / cnt_ref[...] + r3_ref[...], 0.0)
  o_ref[...] = lax.dot_general(
      wh_ref[...], h, dimension_numbers=(((0,), (1,)), ((), ())),
      preferred_element_type=jnp.float32) + bh_ref[...]


_tc3 = pl.pallas_call(
    _tc3_body, out_shape=jax.ShapeDtypeStruct((2, N), jnp.float32))


@jax.jit
def _run(x, edge_index, W1l, W1r, b1, W2l, W2r, b2, W3l, W3r, b3, Wreg, breg,
         Wcls, bcls):
  edges = edge_index.astype(jnp.int32).reshape(2, EC, CHUNK)
  z64 = jnp.zeros((N_ACC, 64), jnp.float32)
  z32 = jnp.zeros((N_ACC, 32), jnp.float32)
  z16 = jnp.zeros((N_ACC, 16), jnp.float32)

  y1p = _tc0(x, W1l)
  r1 = _tcr(x, W1r, b1.reshape(1, 64))
  agg1, cnts = _sc_agg1(y1p, edges, z64)
  y2p, r2, cnt = _tc1(agg1, cnts, r1, W2l, W2r, b2.reshape(1, 32))
  agg2 = _sc_agg_32(y2p, edges, z32)
  y3p, r3 = _tc2(agg2, r2, cnt, W3l, W3r, b3.reshape(1, 16))
  agg3 = _sc_agg_16(y3p, edges, z16)
  wh = jnp.concatenate([Wreg, Wcls], axis=1)
  bh = jnp.stack([breg[0], bcls[0]]).reshape(2, 1)
  out = _tc3(agg3, r3, cnt, wh, bh)
  return out[0], out[1]


def kernel(x, edge_index, W1l, W1r, b1, W2l, W2r, b2, W3l, W3r, b3, Wreg,
           breg, Wcls, bcls):
  return _run(x, edge_index, W1l, W1r, b1, W2l, W2r, b2, W3l, W3r, b3, Wreg,
              breg, Wcls, bcls)

# --- scband reference (transcript-rebuilt; emitter-appended) ---
"""Pipeline reference for scband-bike-safety-gnn-5042291606016 (READ-ONLY COPY).

The authoritative reference and input builder live on the scoring server;
editing this copy changes nothing except your own understanding.
"""

import jax, jax.numpy as jnp
import numpy as np

N_NODES = 10000
N_EDGES = 320000
D_IN = 128


def _sage_conv(x, src, dst, Wl, Wr, b, n):
    # PyG-style SAGEConv with mean aggregation:
    # out = lin_l(mean_{j in N(i)} x_j) + lin_r(x_i)
    msgs = x[src]                                   # gather (memory-bound)
    agg = jax.ops.segment_sum(msgs, dst, num_segments=n)  # scatter-add
    cnt = jax.ops.segment_sum(jnp.ones((src.shape[0], 1), x.dtype), dst, num_segments=n)
    mean = agg / jnp.clip(cnt, 1.0)
    return mean @ Wl + x @ Wr + b


def setup_inputs(seed: int = 0) -> dict:
    key = jax.random.key(seed)
    ks = jax.random.split(key, 16)
    x = jax.random.normal(ks[0], (N_NODES, D_IN), dtype=jnp.float32)
    edge_index = jax.random.randint(ks[1], (2, N_EDGES), 0, N_NODES, dtype=jnp.int64)
    def glorot(k, fan_in, fan_out):
        s = float(np.sqrt(2.0 / (fan_in + fan_out)))
        return jax.random.normal(k, (fan_in, fan_out), dtype=jnp.float32) * s
    return {
        "x": x,
        "edge_index": edge_index,
        "W1l": glorot(ks[2], 128, 64), "W1r": glorot(ks[3], 128, 64), "b1": jnp.zeros((64,), jnp.float32),
        "W2l": glorot(ks[4], 64, 32), "W2r": glorot(ks[5], 64, 32), "b2": jnp.zeros((32,), jnp.float32),
        "W3l": glorot(ks[6], 32, 16), "W3r": glorot(ks[7], 32, 16), "b3": jnp.zeros((16,), jnp.float32),
        "Wreg": glorot(ks[8], 16, 1), "breg": jnp.zeros((1,), jnp.float32),
        "Wcls": glorot(ks[9], 16, 1), "bcls": jnp.zeros((1,), jnp.float32),
    }


def reference(x, edge_index, W1l, W1r, b1, W2l, W2r, b2, W3l, W3r, b3, Wreg, breg, Wcls, bcls):
    src = edge_index[0]
    dst = edge_index[1]
    n = x.shape[0]
    h = jax.nn.relu(_sage_conv(x, src, dst, W1l, W1r, b1, n))
    # dropout is identity in eval mode
    h = jax.nn.relu(_sage_conv(h, src, dst, W2l, W2r, b2, n))
    h = jax.nn.relu(_sage_conv(h, src, dst, W3l, W3r, b3, n))
    reg = (h @ Wreg + breg).squeeze(-1)
    cls = (h @ Wcls + bcls).squeeze(-1)
    return (reg, cls)

if __name__ == "__main__":
    import jax
    _d = setup_inputs()
    print(jax.jit(kernel)(*tuple(_d.values())))

</pallas_src>

<mosaic_0001>
#map = affine_map<(d0, d1) -> (0, 0)>
#map1 = affine_map<(d0, d1) -> (0, 0, 0)>
module attributes {stable_mosaic.version = 14 : i64} {
  func.func @body(%arg0: i32, %arg1: i32, %arg2: memref<10016x64xf32, #tpu.memory_space<hbm>>, %arg3: memref<2x1250x256xi32, #tpu.memory_space<hbm>>, %arg4: memref<10112x64xf32, #tpu.memory_space<hbm>>, %arg5: memref<2x10112x64xf32, #tpu.memory_space<hbm>>, %arg6: memref<32x10016xf32, #tpu.memory_space<hbm>>, %arg7: memref<40x256xi32, #tpu.memory_space<vmem>>, %arg8: memref<40x256xi32, #tpu.memory_space<vmem>>, %arg9: memref<256x64xf32, #tpu.memory_space<vmem>>, %arg10: memref<10016xf32, #tpu.memory_space<vmem>>, %arg11: memref<10112x64xf32, #tpu.memory_space<vmem_shared>>, %arg12: memref<10016x64xf32, #tpu.memory_space<vmem_shared>>, %arg13: memref<!tpu.dma_semaphore, #tpu.memory_space<semaphore_mem>>) attributes {dimension_semantics = [#tpu.dimension_semantics<core_parallel>, #tpu.dimension_semantics<subcore_parallel>], iteration_bounds = array<i64: 2, 16>, scalar_prefetch = 0 : i64, scratch_operands = 7 : i64, tpu.core_type = #tpu.core_type<sc_vector_subcore>, window_params = [{transform_indices = #map}, {transform_indices = #map1}, {transform_indices = #map}, {transform_indices = #map1}, {transform_indices = #map}]} {
    %mul3A = arith.constant 2 : i32
    %mul3A_0 = arith.muli %arg1, %mul3A : i32
    %add3A = arith.addi %mul3A_0, %arg0 : i32
    %mul3A_1 = arith.constant 632 : i32
    %mul3A_2 = arith.muli %arg1, %mul3A_1 : i32
    %mul3A_3 = arith.constant 626 : i32
    %mul3A_4 = arith.muli %arg1, %mul3A_3 : i32
    %mul3A_5 = arith.constant 39 : i32
    %mul3A_6 = arith.muli %add3A, %mul3A_5 : i32
    %mul3A_7 = arith.constant 39 : i32
    %mul3A_8 = arith.muli %add3A, %mul3A_7 : i32
    %dma_start3A = arith.constant 0 : i32
    %dma_start3A_9 = tpu.memref_slice %arg11[%mul3A_2, %dma_start3A] : memref<10112x64xf32, #tpu.memory_space<vmem_shared>> -> memref<632x64xf32, #tpu.memory_space<vmem_shared>>
    %dma_start3A_10 = arith.constant 0 : i32
    %dma_start3A_11 = tpu.memref_slice %arg4[%mul3A_2, %dma_start3A_10] : memref<10112x64xf32, #tpu.memory_space<hbm>> -> memref<632x64xf32, #tpu.memory_space<hbm>>
    tpu.enqueue_dma source(%dma_start3A_11 : memref<632x64xf32, #tpu.memory_space<hbm>>) target(%dma_start3A_9 : memref<632x64xf32, #tpu.memory_space<vmem_shared>>) target_semaphore(%arg13 : memref<!tpu.dma_semaphore, #tpu.memory_space<semaphore_mem>>)
    %dma_start3A_12 = arith.constant 0 : i32
    %dma_start3A_13 = tpu.memref_slice %arg12[%mul3A_4, %dma_start3A_12] : memref<10016x64xf32, #tpu.memory_space<vmem_shared>> -> memref<626x64xf32, #tpu.memory_space<vmem_shared>>
    %dma_start3A_14 = arith.constant 0 : i32
    %dma_start3A_15 = tpu.memref_slice %arg2[%mul3A_4, %dma_start3A_14] : memref<10016x64xf32, #tpu.memory_space<hbm>> -> memref<626x64xf32, #tpu.memory_space<hbm>>
    tpu.enqueue_dma source(%dma_start3A_15 : memref<626x64xf32, #tpu.memory_space<hbm>>) target(%dma_start3A_13 : memref<626x64xf32, #tpu.memory_space<vmem_shared>>) target_semaphore(%arg13 : memref<!tpu.dma_semaphore, #tpu.memory_space<semaphore_mem>>)
    %dma_start3A_16 = arith.constant 0 : i32
    %dma_start3A_17 = arith.constant 0 : i32
    %dma_start3A_18 = arith.constant 0 : i32
    %dma_start3A_19 = tpu.memref_slice %arg7[%dma_start3A_17, %dma_start3A_18] : memref<40x256xi32, #tpu.memory_space<vmem>> -> memref<39x256xi32, #tpu.memory_space<vmem>>
    %dma_start3A_20 = arith.constant 0 : i32
    %dma_start3A_21 = tpu.memref_slice %arg3[%dma_start3A_16, %mul3A_6, %dma_start3A_20] : memref<2x1250x256xi32, #tpu.memory_space<hbm>> -> memref<1x39x256xi32, #tpu.memory_space<hbm>>
    %dma_start3A_22 = tpu.memref_squeeze %dma_start3A_21 : memref<1x39x256xi32, #tpu.memory_space<hbm>> -> memref<39x256xi32, #tpu.memory_space<hbm>>
    %dma_start3A_23 = arith.constant 0 : i32
    %dma_start3A_24 = arith.constant 0 : i32
    %dma_start3A_25 = tpu.memref_slice %arg7[%dma_start3A_23, %dma_start3A_24] : memref<40x256xi32, #tpu.memory_space<vmem>> -> memref<39x256xi32, #tpu.memory_space<vmem>>
    %dma_start3A_26 = arith.constant 0 : i32
    %dma_start3A_27 = tpu.memref_slice %arg3[%dma_start3A_16, %mul3A_6, %dma_start3A_26] : memref<2x1250x256xi32, #tpu.memory_space<hbm>> -> memref<1x39x256xi32, #tpu.memory_space<hbm>>
    %dma_start3A_28 = tpu.memref_squeeze %dma_start3A_27 : memref<1x39x256xi32, #tpu.memory_space<hbm>> -> memref<39x256xi32, #tpu.memory_space<hbm>>
    tpu.enqueue_dma source(%dma_start3A_28 : memref<39x256xi32, #tpu.memory_space<hbm>>) target(%dma_start3A_25 : memref<39x256xi32, #tpu.memory_space<vmem>>) target_semaphore(%arg13 : memref<!tpu.dma_semaphore, #tpu.memory_space<semaphore_mem>>)
    %dma_start3A_29 = arith.constant 1 : i32
    %dma_start3A_30 = arith.constant 0 : i32
    %dma_start3A_31 = arith.constant 0 : i32
    %dma_start3A_32 = tpu.memref_slice %arg8[%dma_start3A_30, %dma_start3A_31] : memref<40x256xi32, #tpu.memory_space<vmem>> -> memref<39x256xi32, #tpu.memory_space<vmem>>
    %dma_start3A_33 = arith.constant 0 : i32
    %dma_start3A_34 = tpu.memref_slice %arg3[%dma_start3A_29, %mul3A_8, %dma_start3A_33] : memref<2x1250x256xi32, #tpu.memory_space<hbm>> -> memref<1x39x256xi32, #tpu.memory_space<hbm>>
    %dma_start3A_35 = tpu.memref_squeeze %dma_start3A_34 : memref<1x39x256xi32, #tpu.memory_space<hbm>> -> memref<39x256xi32, #tpu.memory_space<hbm>>
    %dma_start3A_36 = arith.constant 0 : i32
    %dma_start3A_37 = arith.constant 0 : i32
    %dma_start3A_38 = tpu.memref_slice %arg8[%dma_start3A_36, %dma_start3A_37] : memref<40x256xi32, #tpu.memory_space<vmem>> -> memref<39x256xi32, #tpu.memory_space<vmem>>
    %dma_start3A_39 = arith.constant 0 : i32
    %dma_start3A_40 = tpu.memref_slice %arg3[%dma_start3A_29, %mul3A_8, %dma_start3A_39] : memref<2x1250x256xi32, #tpu.memory_space<hbm>> -> memref<1x39x256xi32, #tpu.memory_space<hbm>>
    %dma_start3A_41 = tpu.memref_squeeze %dma_start3A_40 : memref<1x39x256xi32, #tpu.memory_space<hbm>> -> memref<39x256xi32, #tpu.memory_space<hbm>>
    tpu.enqueue_dma source(%dma_start3A_41 : memref<39x256xi32, #tpu.memory_space<hbm>>) target(%dma_start3A_38 : memref<39x256xi32, #tpu.memory_space<vmem>>) target_semaphore(%arg13 : memref<!tpu.dma_semaphore, #tpu.memory_space<semaphore_mem>>)
    %lt3A = arith.constant 2 : i32
    %lt3A_42 = arith.cmpi slt, %add3A, %lt3A : i32
    %convert_element_type3A = arith.extui %lt3A_42 : i1 to i32
    %cond3A = arith.constant 0 : i32
    %cond3A_43 = arith.cmpi ne, %convert_element_type3A, %cond3A : i32
    scf.if %cond3A_43 {
      %add3A_98 = arith.constant 1248 : i32
      %add3A_99 = arith.addi %add3A_98, %add3A : i32
      %run_scoped3A = arith.constant 0 : i32
      %run_scoped3A_100 = arith.constant 39 : i32
      "tpu.region"() ({
        %run_scoped3A_105 = tpu.sem_alloc : memref<!tpu.dma_semaphore, #tpu.memory_space<semaphore_mem>>
        %dma_start3A_106 = arith.constant 0 : i32
        %dma_start3A_107 = tpu.memref_slice %arg7[%run_scoped3A_100, %dma_start3A_106] : memref<40x256xi32, #tpu.memory_space<vmem>> -> memref<1x256xi32, #tpu.memory_space<vmem>>
        %dma_start3A_108 = tpu.memref_squeeze %dma_start3A_107 : memref<1x256xi32, #tpu.memory_space<vmem>> -> memref<256xi32, #tpu.memory_space<vmem>>
        %dma_start3A_109 = arith.constant 0 : i32
        %dma_start3A_110 = tpu.memref_slice %arg3[%run_scoped3A, %add3A_99, %dma_start3A_109] : memref<2x1250x256xi32, #tpu.memory_space<hbm>> -> memref<1x1x256xi32, #tpu.memory_space<hbm>>
        %dma_start3A_111 = tpu.memref_squeeze %dma_start3A_110 : memref<1x1x256xi32, #tpu.memory_space<hbm>> -> memref<256xi32, #tpu.memory_space<hbm>>
        %dma_start3A_112 = arith.constant 0 : i32
        %dma_start3A_113 = tpu.memref_slice %arg7[%run_scoped3A_100, %dma_start3A_112] : memref<40x256xi32, #tpu.memory_space<vmem>> -> memref<1x256xi32, #tpu.memory_space<vmem>>
        %dma_start3A_114 = tpu.memref_squeeze %dma_start3A_113 : memref<1x256xi32, #tpu.memory_space<vmem>> -> memref<256xi32, #tpu.memory_space<vmem>>
        %dma_start3A_115 = arith.constant 0 : i32
        %dma_start3A_116 = tpu.memref_slice %arg3[%run_scoped3A, %add3A_99, %dma_start3A_115] : memref<2x1250x256xi32, #tpu.memory_space<hbm>> -> memref<1x1x256xi32, #tpu.memory_space<hbm>>
        %dma_start3A_117 = tpu.memref_squeeze %dma_start3A_116 : memref<1x1x256xi32, #tpu.memory_space<hbm>> -> memref<256xi32, #tpu.memory_space<hbm>>
        tpu.enqueue_dma source(%dma_start3A_117 : memref<256xi32, #tpu.memory_space<hbm>>) target(%dma_start3A_114 : memref<256xi32, #tpu.memory_space<vmem>>) target_semaphore(%run_scoped3A_105 : memref<!tpu.dma_semaphore, #tpu.memory_space<semaphore_mem>>)
        %dma_wait3A_118 = arith.constant 0 : i32
        %dma_wait3A_119 = tpu.memref_slice %arg7[%run_scoped3A_100, %dma_wait3A_118] : memref<40x256xi32, #tpu.memory_space<vmem>> -> memref<1x256xi32, #tpu.memory_space<vmem>>
        %dma_wait3A_120 = tpu.memref_squeeze %dma_wait3A_119 : memref<1x256xi32, #tpu.memory_space<vmem>> -> memref<256xi32, #tpu.memory_space<vmem>>
        %dma_wait3A_121 = arith.constant 0 : i32
        %dma_wait3A_122 = tpu.memref_slice %arg3[%run_scoped3A, %add3A_99, %dma_wait3A_121] : memref<2x1250x256xi32, #tpu.memory_space<hbm>> -> memref<1x1x256xi32, #tpu.memory_space<hbm>>
        %dma_wait3A_123 = tpu.memref_squeeze %dma_wait3A_122 : memref<1x1x256xi32, #tpu.memory_space<hbm>> -> memref<256xi32, #tpu.memory_space<hbm>>
        %dma_wait3A_124 = arith.constant 0 : i32
        %dma_wait3A_125 = tpu.memref_slice %arg7[%run_scoped3A_100, %dma_wait3A_124] : memref<40x256xi32, #tpu.memory_space<vmem>> -> memref<1x256xi32, #tpu.memory_space<vmem>>
        %dma_wait3A_126 = tpu.memref_squeeze %dma_wait3A_125 : memref<1x256xi32, #tpu.memory_space<vmem>> -> memref<256xi32, #tpu.memory_space<vmem>>
        %dma_wait3A_127 = arith.constant 0 : i32
        %dma_wait3A_128 = tpu.memref_slice %arg3[%run_scoped3A, %add3A_99, %dma_wait3A_127] : memref<2x1250x256xi32, #tpu.memory_space<hbm>> -> memref<1x1x256xi32, #tpu.memory_space<hbm>>
        %dma_wait3A_129 = tpu.memref_squeeze %dma_wait3A_128 : memref<1x1x256xi32, #tpu.memory_space<hbm>> -> memref<256xi32, #tpu.memory_space<hbm>>
        tpu.wait_dma2 semaphore(%run_scoped3A_105 : memref<!tpu.dma_semaphore, #tpu.memory_space<semaphore_mem>>) src(%dma_wait3A_129 : memref<256xi32, #tpu.memory_space<hbm>>) dst(%dma_wait3A_126 : memref<256xi32, #tpu.memory_space<vmem>>)
        tpu.yield
      }) : () -> ()
      %add3A_101 = arith.constant 1248 : i32
      %add3A_102 = arith.addi %add3A_101, %add3A : i32
      %run_scoped3A_103 = arith.constant 1 : i32
      %run_scoped3A_104 = arith.constant 39 : i32
      "tpu.region"() ({
        %run_scoped3A_105 = tpu.sem_alloc : memref<!tpu.dma_semaphore, #tpu.memory_space<semaphore_mem>>
        %dma_start3A_106 = arith.constant 0 : i32
        %dma_start3A_107 = tpu.memref_slice %arg8[%run_scoped3A_104, %dma_start3A_106] : memref<40x256xi32, #tpu.memory_space<vmem>> -> memref<1x256xi32, #tpu.memory_space<vmem>>
        %dma_start3A_108 = tpu.memref_squeeze %dma_start3A_107 : memref<1x256xi32, #tpu.memory_space<vmem>> -> memref<256xi32, #tpu.memory_space<vmem>>
        %dma_start3A_109 = arith.constant 0 : i32
        %dma_start3A_110 = tpu.memref_slice %arg3[%run_scoped3A_103, %add3A_102, %dma_start3A_109] : memref<2x1250x256xi32, #tpu.memory_space<hbm>> -> memref<1x1x256xi32, #tpu.memory_space<hbm>>
        %dma_start3A_111 = tpu.memref_squeeze %dma_start3A_110 : memref<1x1x256xi32, #tpu.memory_space<hbm>> -> memref<256xi32, #tpu.memory_space<hbm>>
        %dma_start3A_112 = arith.constant 0 : i32
        %dma_start3A_113 = tpu.memref_slice %arg8[%run_scoped3A_104, %dma_start3A_112] : memref<40x256xi32, #tpu.memory_space<vmem>> -> memref<1x256xi32, #tpu.memory_space<vmem>>
        %dma_start3A_114 = tpu.memref_squeeze %dma_start3A_113 : memref<1x256xi32, #tpu.memory_space<vmem>> -> memref<256xi32, #tpu.memory_space<vmem>>
        %dma_start3A_115 = arith.constant 0 : i32
        %dma_start3A_116 = tpu.memref_slice %arg3[%run_scoped3A_103, %add3A_102, %dma_start3A_115] : memref<2x1250x256xi32, #tpu.memory_space<hbm>> -> memref<1x1x256xi32, #tpu.memory_space<hbm>>
        %dma_start3A_117 = tpu.memref_squeeze %dma_start3A_116 : memref<1x1x256xi32, #tpu.memory_space<hbm>> -> memref<256xi32, #tpu.memory_space<hbm>>
        tpu.enqueue_dma source(%dma_start3A_117 : memref<256xi32, #tpu.memory_space<hbm>>) target(%dma_start3A_114 : memref<256xi32, #tpu.memory_space<vmem>>) target_semaphore(%run_scoped3A_105 : memref<!tpu.dma_semaphore, #tpu.memory_space<semaphore_mem>>)
        %dma_wait3A_118 = arith.constant 0 : i32
        %dma_wait3A_119 = tpu.memref_slice %arg8[%run_scoped3A_104, %dma_wait3A_118] : memref<40x256xi32, #tpu.memory_space<vmem>> -> memref<1x256xi32, #tpu.memory_space<vmem>>
        %dma_wait3A_120 = tpu.memref_squeeze %dma_wait3A_119 : memref<1x256xi32, #tpu.memory_space<vmem>> -> memref<256xi32, #tpu.memory_space<vmem>>
        %dma_wait3A_121 = arith.constant 0 : i32
        %dma_wait3A_122 = tpu.memref_slice %arg3[%run_scoped3A_103, %add3A_102, %dma_wait3A_121] : memref<2x1250x256xi32, #tpu.memory_space<hbm>> -> memref<1x1x256xi32, #tpu.memory_space<hbm>>
        %dma_wait3A_123 = tpu.memref_squeeze %dma_wait3A_122 : memref<1x1x256xi32, #tpu.memory_space<hbm>> -> memref<256xi32, #tpu.memory_space<hbm>>
        %dma_wait3A_124 = arith.constant 0 : i32
        %dma_wait3A_125 = tpu.memref_slice %arg8[%run_scoped3A_104, %dma_wait3A_124] : memref<40x256xi32, #tpu.memory_space<vmem>> -> memref<1x256xi32, #tpu.memory_space<vmem>>
        %dma_wait3A_126 = tpu.memref_squeeze %dma_wait3A_125 : memref<1x256xi32, #tpu.memory_space<vmem>> -> memref<256xi32, #tpu.memory_space<vmem>>
        %dma_wait3A_127 = arith.constant 0 : i32
        %dma_wait3A_128 = tpu.memref_slice %arg3[%run_scoped3A_103, %add3A_102, %dma_wait3A_127] : memref<2x1250x256xi32, #tpu.memory_space<hbm>> -> memref<1x1x256xi32, #tpu.memory_space<hbm>>
        %dma_wait3A_129 = tpu.memref_squeeze %dma_wait3A_128 : memref<1x1x256xi32, #tpu.memory_space<hbm>> -> memref<256xi32, #tpu.memory_space<hbm>>
        tpu.wait_dma2 semaphore(%run_scoped3A_105 : memref<!tpu.dma_semaphore, #tpu.memory_space<semaphore_mem>>) src(%dma_wait3A_129 : memref<256xi32, #tpu.memory_space<hbm>>) dst(%dma_wait3A_126 : memref<256xi32, #tpu.memory_space<vmem>>)
        tpu.yield
      }) : () -> ()
    } else {
    }
    %lt3A_44 = arith.constant 2 : i32
    %lt3A_45 = arith.cmpi slt, %add3A, %lt3A_44 : i32
    %jit3A = arith.constant 1 : i32
    %jit3A_46 = arith.constant 0 : i32
    %select_n3A = arith.select %lt3A_45, %jit3A, %jit3A_46 : i32
    %add3A_47 = arith.constant 39 : i32
    %add3A_48 = arith.addi %add3A_47, %select_n3A : i32
    %scan3A = arith.constant 0 : i32
    %scan3A_49 = arith.constant 0 : i32
    %scan3A_50 = arith.constant 626 : i32
    %scan3A_51 = arith.addi %scan3A_49, %scan3A_50 : i32
    %scan3A_52 = arith.constant 1 : i32
    scf.for %scan3A_98 = %scan3A_49 to %scan3A_51 step %scan3A_52  : i32 {
      %broadcast_in_dim3A_99 = arith.constant 0.000000e+00 : f32
      %broadcast_in_dim3A_100 = vector.broadcast %broadcast_in_dim3A_99 : f32 to vector<16xf32>
      %mul3A_101 = arith.constant 16 : i32
      %mul3A_102 = arith.muli %mul3A_101, %scan3A_98 : i32
      %swap3A = arith.index_cast %mul3A_102 : i32 to index
      %swap3A_103 = tpu.vector_load %arg10[%swap3A] {strides = array<i32>} : memref<10016xf32, #tpu.memory_space<vmem>>, vector<16xf32>,
      tpu.vector_store %arg10[%swap3A], %broadcast_in_dim3A_100 {strides = array<i32>} : memref<10016xf32, #tpu.memory_space<vmem>>, vector<16xf32>,
    }
    %scan3A_53 = arith.constant 626 : i32
    %dma_wait3A = arith.constant 0 : i32
    %dma_wait3A_54 = tpu.memref_slice %arg11[%mul3A_2, %dma_wait3A] : memref<10112x64xf32, #tpu.memory_space<vmem_shared>> -> memref<632x64xf32, #tpu.memory_space<vmem_shared>>
    %dma_wait3A_55 = arith.constant 0 : i32
    %dma_wait3A_56 = tpu.memref_slice %arg4[%mul3A_2, %dma_wait3A_55] : memref<10112x64xf32, #tpu.memory_space<hbm>> -> memref<632x64xf32, #tpu.memory_space<hbm>>
    tpu.wait_dma2 semaphore(%arg13 : memref<!tpu.dma_semaphore, #tpu.memory_space<semaphore_mem>>) src(%dma_wait3A_56 : memref<632x64xf32, #tpu.memory_space<hbm>>) dst(%dma_wait3A_54 : memref<632x64xf32, #tpu.memory_space<vmem_shared>>)
    %dma_wait3A_57 = arith.constant 0 : i32
    %dma_wait3A_58 = tpu.memref_slice %arg12[%mul3A_4, %dma_wait3A_57] : memref<10016x64xf32, #tpu.memory_space<vmem_shared>> -> memref<626x64xf32, #tpu.memory_space<vmem_shared>>
    %dma_wait3A_59 = arith.constant 0 : i32
    %dma_wait3A_60 = tpu.memref_slice %arg2[%mul3A_4, %dma_wait3A_59] : memref<10016x64xf32, #tpu.memory_space<hbm>> -> memref<626x64xf32, #tpu.memory_space<hbm>>
    tpu.wait_dma2 semaphore(%arg13 : memref<!tpu.dma_semaphore, #tpu.memory_space<semaphore_mem>>) src(%dma_wait3A_60 : memref<626x64xf32, #tpu.memory_space<hbm>>) dst(%dma_wait3A_58 : memref<626x64xf32, #tpu.memory_space<vmem_shared>>)
    %dma_wait3A_61 = arith.constant 0 : i32
    %dma_wait3A_62 = arith.constant 0 : i32
    %dma_wait3A_63 = arith.constant 0 : i32
    %dma_wait3A_64 = tpu.memref_slice %arg7[%dma_wait3A_62, %dma_wait3A_63] : memref<40x256xi32, #tpu.memory_space<vmem>> -> memref<39x256xi32, #tpu.memory_space<vmem>>
    %dma_wait3A_65 = arith.constant 0 : i32
    %dma_wait3A_66 = tpu.memref_slice %arg3[%dma_wait3A_61, %mul3A_6, %dma_wait3A_65] : memref<2x1250x256xi32, #tpu.memory_space<hbm>> -> memref<1x39x256xi32, #tpu.memory_space<hbm>>
    %dma_wait3A_67 = tpu.memref_squeeze %dma_wait3A_66 : memref<1x39x256xi32, #tpu.memory_space<hbm>> -> memref<39x256xi32, #tpu.memory_space<hbm>>
    %dma_wait3A_68 = arith.constant 0 : i32
    %dma_wait3A_69 = arith.constant 0 : i32
    %dma_wait3A_70 = tpu.memref_slice %arg7[%dma_wait3A_68, %dma_wait3A_69] : memref<40x256xi32, #tpu.memory_space<vmem>> -> memref<39x256xi32, #tpu.memory_space<vmem>>
    %dma_wait3A_71 = arith.constant 0 : i32
    %dma_wait3A_72 = tpu.memref_slice %arg3[%dma_wait3A_61, %mul3A_6, %dma_wait3A_71] : memref<2x1250x256xi32, #tpu.memory_space<hbm>> -> memref<1x39x256xi32, #tpu.memory_space<hbm>>
    %dma_wait3A_73 = tpu.memref_squeeze %dma_wait3A_72 : memref<1x39x256xi32, #tpu.memory_space<hbm>> -> memref<39x256xi32, #tpu.memory_space<hbm>>
    tpu.wait_dma2 semaphore(%arg13 : memref<!tpu.dma_semaphore, #tpu.memory_space<semaphore_mem>>) src(%dma_wait3A_73 : memref<39x256xi32, #tpu.memory_space<hbm>>) dst(%dma_wait3A_70 : memref<39x256xi32, #tpu.memory_space<vmem>>)
    %dma_wait3A_74 = arith.constant 1 : i32
    %dma_wait3A_75 = arith.constant 0 : i32
    %dma_wait3A_76 = arith.constant 0 : i32
    %dma_wait3A_77 = tpu.memref_slice %arg8[%dma_wait3A_75, %dma_wait3A_76] : memref<40x256xi32, #tpu.memory_space<vmem>> -> memref<39x256xi32, #tpu.memory_space<vmem>>
    %dma_wait3A_78 = arith.constant 0 : i32
    %dma_wait3A_79 = tpu.memref_slice %arg3[%dma_wait3A_74, %mul3A_8, %dma_wait3A_78] : memref<2x1250x256xi32, #tpu.memory_space<hbm>> -> memref<1x39x256xi32, #tpu.memory_space<hbm>>
    %dma_wait3A_80 = tpu.memref_squeeze %dma_wait3A_79 : memref<1x39x256xi32, #tpu.memory_space<hbm>> -> memref<39x256xi32, #tpu.memory_space<hbm>>
    %dma_wait3A_81 = arith.constant 0 : i32
    %dma_wait3A_82 = arith.constant 0 : i32
    %dma_wait3A_83 = tpu.memref_slice %arg8[%dma_wait3A_81, %dma_wait3A_82] : memref<40x256xi32, #tpu.memory_space<vmem>> -> memref<39x256xi32, #tpu.memory_space<vmem>>
    %dma_wait3A_84 = arith.constant 0 : i32
    %dma_wait3A_85 = tpu.memref_slice %arg3[%dma_wait3A_74, %mul3A_8, %dma_wait3A_84] : memref<2x1250x256xi32, #tpu.memory_space<hbm>> -> memref<1x39x256xi32, #tpu.memory_space<hbm>>
    %dma_wait3A_86 = tpu.memref_squeeze %dma_wait3A_85 : memref<1x39x256xi32, #tpu.memory_space<hbm>> -> memref<39x256xi32, #tpu.memory_space<hbm>>
    tpu.wait_dma2 semaphore(%arg13 : memref<!tpu.dma_semaphore, #tpu.memory_space<semaphore_mem>>) src(%dma_wait3A_86 : memref<39x256xi32, #tpu.memory_space<hbm>>) dst(%dma_wait3A_83 : memref<39x256xi32, #tpu.memory_space<vmem>>)
    %barrier3A = arith.constant 0 : index
    tpu.barrier barrier_id(%barrier3A)
    %broadcast_in_dim3A = arith.constant 1.000000e+00 : f32
    %broadcast_in_dim3A_87 = vector.broadcast %broadcast_in_dim3A : f32 to vector<16xf32>
    %while3A = arith.constant 0 : i32
    %while3A_88 = arith.constant 0 : i32
    %while3A_89 = arith.subi %add3A_48, %while3A_88 : i32
    %while3A_90 = arith.addi %while3A_88, %while3A_89 : i32
    %while3A_91 = arith.constant 1 : i32
    %while3A_92 = arith.divsi %while3A_89, %while3A_91 : i32
    %while3A_93 = arith.muli %while3A_92, %while3A_91 : i32
    %while3A_94 = arith.addi %while3A_88, %while3A_93 : i32
    %while3A_95 = arith.constant 1 : i32
    scf.for %while3A_98 = %while3A_88 to %while3A_94 step %while3A_95  : i32 {
      %dma_start3A_99 = arith.constant 0 : i32
      %dma_start3A_100 = tpu.memref_slice %arg7[%while3A_98, %dma_start3A_99] : memref<40x256xi32, #tpu.memory_space<vmem>> -> memref<1x256xi32, #tpu.memory_space<vmem>>
      %dma_start3A_101 = tpu.memref_squeeze %dma_start3A_100 : memref<1x256xi32, #tpu.memory_space<vmem>> -> memref<256xi32, #tpu.memory_space<vmem>>
      %dma_start3A_102 = arith.constant 0 : i32
      %dma_start3A_103 = arith.constant 0 : i32
      %dma_start3A_104 = tpu.memref_slice %arg12[%dma_start3A_102, %dma_start3A_103] : memref<10016x64xf32, #tpu.memory_space<vmem_shared>> -> memref<10016x64xf32, #tpu.memory_space<vmem_shared>>
      tpu.enqueue_indirect_dma source(%dma_start3A_104 : memref<10016x64xf32, #tpu.memory_space<vmem_shared>>) target(%arg9 : memref<256x64xf32, #tpu.memory_space<vmem>>) offsets(%dma_start3A_101 : memref<256xi32, #tpu.memory_space<vmem>>) semaphore(%arg13 : memref<!tpu.dma_semaphore, #tpu.memory_space<semaphore_mem>>)
      %get3A = arith.constant 0 : i32
      %get3A_105 = tpu.memref_slice %arg8[%while3A_98, %get3A] : memref<40x256xi32, #tpu.memory_space<vmem>> -> memref<1x256xi32, #tpu.memory_space<vmem>>
      %get3A_106 = tpu.memref_squeeze %get3A_105 : memref<1x256xi32, #tpu.memory_space<vmem>> -> memref<256xi32, #tpu.memory_space<vmem>>
      %get3A_107 = arith.constant 0 : index
      %get3A_108 = tpu.vector_load %get3A_106[%get3A_107] {strides = array<i32>} : memref<256xi32, #tpu.memory_space<vmem>>, vector<16xi32>,
      tpu.vector_store_idx %arg10[%get3A_108], %broadcast_in_dim3A_87 {add = true} : memref<10016xf32, #tpu.memory_space<vmem>>[vector<16xi32>], vector<16xf32>,
      %get3A_109 = arith.constant 0 : i32
      %get3A_110 = tpu.memref_slice %arg8[%while3A_98, %get3A_109] : memref<40x256xi32, #tpu.memory_space<vmem>> -> memref<1x256xi32, #tpu.memory_space<vmem>>
      %get3A_111 = tpu.memref_squeeze %get3A_110 : memref<1x256xi32, #tpu.memory_space<vmem>> -> memref<256xi32, #tpu.memory_space<vmem>>
      %get3A_112 = arith.constant 16 : index
      %get3A_113 = tpu.vector_load %get3A_111[%get3A_112] {strides = array<i32>} : memref<256xi32, #tpu.memory_space<vmem>>, vector<16xi32>,
      tpu.vector_store_idx %arg10[%get3A_113], %broadcast_in_dim3A_87 {add = true} : memref<10016xf32, #tpu.memory_space<vmem>>[vector<16xi32>], vector<16xf32>,
      %get3A_114 = arith.constant 0 : i32
      %get3A_115 = tpu.memref_slice %arg8[%while3A_98, %get3A_114] : memref<40x256xi32, #tpu.memory_space<vmem>> -> memref<1x256xi32, #tpu.memory_space<vmem>>
      %get3A_116 = tpu.memref_squeeze %get3A_115 : memref<1x256xi32, #tpu.memory_space<vmem>> -> memref<256xi32, #tpu.memory_space<vmem>>
      %get3A_117 = arith.constant 32 : index
      %get3A_118 = tpu.vector_load %get3A_116[%get3A_117] {strides = array<i32>} : memref<256xi32, #tpu.memory_space<vmem>>, vector<16xi32>,
      tpu.vector_store_idx %arg10[%get3A_118], %broadcast_in_dim3A_87 {add = true} : memref<10016xf32, #tpu.memory_space<vmem>>[vector<16xi32>], vector<16xf32>,
      %get3A_119 = arith.constant 0 : i32
      %get3A_120 = tpu.memref_slice %arg8[%while3A_98, %get3A_119] : memref<40x256xi32, #tpu.memory_space<vmem>> -> memref<1x256xi32, #tpu.memory_space<vmem>>
      %get3A_121 = tpu.memref_squeeze %get3A_120 : memref<1x256xi32, #tpu.memory_space<vmem>> -> memref<256xi32, #tpu.memory_space<vmem>>
      %get3A_122 = arith.constant 48 : index
      %get3A_123 = tpu.vector_load %get3A_121[%get3A_122] {strides = array<i32>} : memref<256xi32, #tpu.memory_space<vmem>>, vector<16xi32>,
      tpu.vector_store_idx %arg10[%get3A_123], %broadcast_in_dim3A_87 {add = true} : memref<10016xf32, #tpu.memory_space<vmem>>[vector<16xi32>], vector<16xf32>,
      %get3A_124 = arith.constant 0 : i32
      %get3A_125 = tpu.memref_slice %arg8[%while3A_98, %get3A_124] : memref<40x256xi32, #tpu.memory_space<vmem>> -> memref<1x256xi32, #tpu.memory_space<vmem>>
      %get3A_126 = tpu.memref_squeeze %get3A_125 : memref<1x256xi32, #tpu.memory_space<vmem>> -> memref<256xi32, #tpu.memory_space<vmem>>
      %get3A_127 = arith.constant 64 : index
      %get3A_128 = tpu.vector_load %get3A_126[%get3A_127] {strides = array<i32>} : memref<256xi32, #tpu.memory_space<vmem>>, vector<16xi32>,
      tpu.vector_store_idx %arg10[%get3A_128], %broadcast_in_dim3A_87 {add = true} : memref<10016xf32, #tpu.memory_space<vmem>>[vector<16xi32>], vector<16xf32>,
      %get3A_129 = arith.constant 0 : i32
      %get3A_130 = tpu.memref_slice %arg8[%while3A_98, %get3A_129] : memref<40x256xi32, #tpu.memory_space<vmem>> -> memref<1x256xi32, #tpu.memory_space<vmem>>
      %get3A_131 = tpu.memref_squeeze %get3A_130 : memref<1x256xi32, #tpu.memory_space<vmem>> -> memref<256xi32, #tpu.memory_space<vmem>>
      %get3A_132 = arith.constant 80 : index
      %get3A_133 = tpu.vector_load %get3A_131[%get3A_132] {strides = array<i32>} : memref<256xi32, #tpu.memory_space<vmem>>, vector<16xi32>,
      tpu.vector_store_idx %arg10[%get3A_133], %broadcast_in_dim3A_87 {add = true} : memref<10016xf32, #tpu.memory_space<vmem>>[vector<16xi32>], vector<16xf32>,
      %get3A_134 = arith.constant 0 : i32
      %get3A_135 = tpu.memref_slice %arg8[%while3A_98, %get3A_134] : memref<40x256xi32, #tpu.memory_space<vmem>> -> memref<1x256xi32, #tpu.memory_space<vmem>>
      %get3A_136 = tpu.memref_squeeze %get3A_135 : memref<1x256xi32, #tpu.memory_space<vmem>> -> memref<256xi32, #tpu.memory_space<vmem>>
      %get3A_137 = arith.constant 96 : index
      %get3A_138 = tpu.vector_load %get3A_136[%get3A_137] {strides = array<i32>} : memref<256xi32, #tpu.memory_space<vmem>>, vector<16xi32>,
      tpu.vector_store_idx %arg10[%get3A_138], %broadcast_in_dim3A_87 {add = true} : memref<10016xf32, #tpu.memory_space<vmem>>[vector<16xi32>], vector<16xf32>,
      %get3A_139 = arith.constant 0 : i32
      %get3A_140 = tpu.memref_slice %arg8[%while3A_98, %get3A_139] : memref<40x256xi32, #tpu.memory_space<vmem>> -> memref<1x256xi32, #tpu.memory_space<vmem>>
      %get3A_141 = tpu.memref_squeeze %get3A_140 : memref<1x256xi32, #tpu.memory_space<vmem>> -> memref<256xi32, #tpu.memory_space<vmem>>
      %get3A_142 = arith.constant 112 : index
      %get3A_143 = tpu.vector_load %get3A_141[%get3A_142] {strides = array<i32>} : memref<256xi32, #tpu.memory_space<vmem>>, vector<16xi32>,
      tpu.vector_store_idx %arg10[%get3A_143], %broadcast_in_dim3A_87 {add = true} : memref<10016xf32, #tpu.memory_space<vmem>>[vector<16xi32>], vector<16xf32>,
      %get3A_144 = arith.constant 0 : i32
      %get3A_145 = tpu.memref_slice %arg8[%while3A_98, %get3A_144] : memref<40x256xi32, #tpu.memory_space<vmem>> -> memref<1x256xi32, #tpu.memory_space<vmem>>
      %get3A_146 = tpu.memref_squeeze %get3A_145 : memref<1x256xi32, #tpu.memory_space<vmem>> -> memref<256xi32, #tpu.memory_space<vmem>>
      %get3A_147 = arith.constant 128 : index
      %get3A_148 = tpu.vector_load %get3A_146[%get3A_147] {strides = array<i32>} : memref<256xi32, #tpu.memory_space<vmem>>, vector<16xi32>,
      tpu.vector_store_idx %arg10[%get3A_148], %broadcast_in_dim3A_87 {add = true} : memref<10016xf32, #tpu.memory_space<vmem>>[vector<16xi32>], vector<16xf32>,
      %get3A_149 = arith.constant 0 : i32
      %get3A_150 = tpu.memref_slice %arg8[%while3A_98, %get3A_149] : memref<40x256xi32, #tpu.memory_space<vmem>> -> memref<1x256xi32, #tpu.memory_space<vmem>>
      %get3A_151 = tpu.memref_squeeze %get3A_150 : memref<1x256xi32, #tpu.memory_space<vmem>> -> memref<256xi32, #tpu.memory_space<vmem>>
      %get3A_152 = arith.constant 144 : index
      %get3A_153 = tpu.vector_load %get3A_151[%get3A_152] {strides = array<i32>} : memref<256xi32, #tpu.memory_space<vmem>>, vector<16xi32>,
      tpu.vector_store_idx %arg10[%get3A_153], %broadcast_in_dim3A_87 {add = true} : memref<10016xf32, #tpu.memory_space<vmem>>[vector<16xi32>], vector<16xf32>,
      %get3A_154 = arith.constant 0 : i32
      %get3A_155 = tpu.memref_slice %arg8[%while3A_98, %get3A_154] : memref<40x256xi32, #tpu.memory_space<vmem>> -> memref<1x256xi32, #tpu.memory_space<vmem>>
      %get3A_156 = tpu.memref_squeeze %get3A_155 : memref<1x256xi32, #tpu.memory_space<vmem>> -> memref<256xi32, #tpu.memory_space<vmem>>
      %get3A_157 = arith.constant 160 : index
      %get3A_158 = tpu.vector_load %get3A_156[%get3A_157] {strides = array<i32>} : memref<256xi32, #tpu.memory_space<vmem>>, vector<16xi32>,
      tpu.vector_store_idx %arg10[%get3A_158], %broadcast_in_dim3A_87 {add = true} : memref<10016xf32, #tpu.memory_space<vmem>>[vector<16xi32>], vector<16xf32>,
      %get3A_159 = arith.constant 0 : i32
      %get3A_160 = tpu.memref_slice %arg8[%while3A_98, %get3A_159] : memref<40x256xi32, #tpu.memory_space<vmem>> -> memref<1x256xi32, #tpu.memory_space<vmem>>
      %get3A_161 = tpu.memref_squeeze %get3A_160 : memref<1x256xi32, #tpu.memory_space<vmem>> -> memref<256xi32, #tpu.memory_space<vmem>>
      %get3A_162 = arith.constant 176 : index
      %get3A_163 = tpu.vector_load %get3A_161[%get3A_162] {strides = array<i32>} : memref<256xi32, #tpu.memory_space<vmem>>, vector<16xi32>,
      tpu.vector_store_idx %arg10[%get3A_163], %broadcast_in_dim3A_87 {add = true} : memref<10016xf32, #tpu.memory_space<vmem>>[vector<16xi32>], vector<16xf32>,
      %get3A_164 = arith.constant 0 : i32
      %get3A_165 = tpu.memref_slice %arg8[%while3A_98, %get3A_164] : memref<40x256xi32, #tpu.memory_space<vmem>> -> memref<1x256xi32, #tpu.memory_space<vmem>>
      %get3A_166 = tpu.memref_squeeze %get3A_165 : memref<1x256xi32, #tpu.memory_space<vmem>> -> memref<256xi32, #tpu.memory_space<vmem>>
      %get3A_167 = arith.constant 192 : index
      %get3A_168 = tpu.vector_load %get3A_166[%get3A_167] {strides = array<i32>} : memref<256xi32, #tpu.memory_space<vmem>>, vector<16xi32>,
      tpu.vector_store_idx %arg10[%get3A_168], %broadcast_in_dim3A_87 {add = true} : memref<10016xf32, #tpu.memory_space<vmem>>[vector<16xi32>], vector<16xf32>,
      %get3A_169 = arith.constant 0 : i32
      %get3A_170 = tpu.memref_slice %arg8[%while3A_98, %get3A_169] : memref<40x256xi32, #tpu.memory_space<vmem>> -> memref<1x256xi32, #tpu.memory_space<vmem>>
      %get3A_171 = tpu.memref_squeeze %get3A_170 : memref<1x256xi32, #tpu.memory_space<vmem>> -> memref<256xi32, #tpu.memory_space<vmem>>
      %get3A_172 = arith.constant 208 : index
      %get3A_173 = tpu.vector_load %get3A_171[%get3A_172] {strides = array<i32>} : memref<256xi32, #tpu.memory_space<vmem>>, vector<16xi32>,
      tpu.vector_store_idx %arg10[%get3A_173], %broadcast_in_dim3A_87 {add = true} : memref<10016xf32, #tpu.memory_space<vmem>>[vector<16xi32>], vector<16xf32>,
      %get3A_174 = arith.constant 0 : i32
      %get3A_175 = tpu.memref_slice %arg8[%while3A_98, %get3A_174] : memref<40x256xi32, #tpu.memory_space<vmem>> -> memref<1x256xi32, #tpu.memory_space<vmem>>
      %get3A_176 = tpu.memref_squeeze %get3A_175 : memref<1x256xi32, #tpu.memory_space<vmem>> -> memref<256xi32, #tpu.memory_space<vmem>>
      %get3A_177 = arith.constant 224 : index
      %get3A_178 = tpu.vector_load %get3A_176[%get3A_177] {strides = array<i32>} : memref<256xi32, #tpu.memory_space<vmem>>, vector<16xi32>,
      tpu.vector_store_idx %arg10[%get3A_178], %broadcast_in_dim3A_87 {add = true} : memref<10016xf32, #tpu.memory_space<vmem>>[vector<16xi32>], vector<16xf32>,
      %get3A_179 = arith.constant 0 : i32
      %get3A_180 = tpu.memref_slice %arg8[%while3A_98, %get3A_179] : memref<40x256xi32, #tpu.memory_space<vmem>> -> memref<1x256xi32, #tpu.memory_space<vmem>>
      %get3A_181 = tpu.memref_squeeze %get3A_180 : memref<1x256xi32, #tpu.memory_space<vmem>> -> memref<256xi32, #tpu.memory_space<vmem>>
      %get3A_182 = arith.constant 240 : index
      %get3A_183 = tpu.vector_load %get3A_181[%get3A_182] {strides = array<i32>} : memref<256xi32, #tpu.memory_space<vmem>>, vector<16xi32>,
      tpu.vector_store_idx %arg10[%get3A_183], %broadcast_in_dim3A_87 {add = true} : memref<10016xf32, #tpu.memory_space<vmem>>[vector<16xi32>], vector<16xf32>,
      %dma_wait3A_184 = arith.constant 0 : i32
      %dma_wait3A_185 = tpu.memref_slice %arg7[%while3A_98, %dma_wait3A_184] : memref<40x256xi32, #tpu.memory_space<vmem>> -> memref<1x256xi32, #tpu.memory_space<vmem>>
      %dma_wait3A_186 = tpu.memref_squeeze %dma_wait3A_185 : memref<1x256xi32, #tpu.memory_space<vmem>> -> memref<256xi32, #tpu.memory_space<vmem>>
      %dma_wait3A_187 = arith.constant 0 : i32
      %dma_wait3A_188 = arith.constant 0 : i32
      %dma_wait3A_189 = tpu.memref_slice %arg12[%dma_wait3A_187, %dma_wait3A_188] : memref<10016x64xf32, #tpu.memory_space<vmem_shared>> -> memref<10016x64xf32, #tpu.memory_space<vmem_shared>>
      tpu.wait_indirect_dma semaphore(%arg13 : memref<!tpu.dma_semaphore, #tpu.memory_space<semaphore_mem>>) src(%dma_wait3A_189 : memref<10016x64xf32, #tpu.memory_space<vmem_shared>>) dst(%arg9 : memref<256x64xf32, #tpu.memory_space<vmem>>)
      "tpu.region"() ({
        %run_scoped3A = tpu.sem_alloc : memref<!tpu.dma_semaphore, #tpu.memory_space<semaphore_mem>>
        %dma_start3A_190 = arith.constant 0 : i32
        %dma_start3A_191 = tpu.memref_slice %arg8[%while3A_98, %dma_start3A_190] : memref<40x256xi32, #tpu.memory_space<vmem>> -> memref<1x256xi32, #tpu.memory_space<vmem>>
        %dma_start3A_192 = tpu.memref_squeeze %dma_start3A_191 : memref<1x256xi32, #tpu.memory_space<vmem>> -> memref<256xi32, #tpu.memory_space<vmem>>
        %dma_start3A_193 = arith.constant 0 : i32
        %dma_start3A_194 = arith.constant 0 : i32
        %dma_start3A_195 = tpu.memref_slice %arg11[%dma_start3A_193, %dma_start3A_194] : memref<10112x64xf32, #tpu.memory_space<vmem_shared>> -> memref<10112x64xf32, #tpu.memory_space<vmem_shared>>
        tpu.enqueue_indirect_dma source(%arg9 : memref<256x64xf32, #tpu.memory_space<vmem>>) target(%dma_start3A_195 : memref<10112x64xf32, #tpu.memory_space<vmem_shared>>) offsets(%dma_start3A_192 : memref<256xi32, #tpu.memory_space<vmem>>) semaphore(%run_scoped3A : memref<!tpu.dma_semaphore, #tpu.memory_space<semaphore_mem>>) {add = true}
        %dma_wait3A_196 = arith.constant 0 : i32
        %dma_wait3A_197 = tpu.memref_slice %arg8[%while3A_98, %dma_wait3A_196] : memref<40x256xi32, #tpu.memory_space<vmem>> -> memref<1x256xi32, #tpu.memory_space<vmem>>
        %dma_wait3A_198 = tpu.memref_squeeze %dma_wait3A_197 : memref<1x256xi32, #tpu.memory_space<vmem>> -> memref<256xi32, #tpu.memory_space<vmem>>
        %dma_wait3A_199 = arith.constant 0 : i32
        %dma_wait3A_200 = arith.constant 0 : i32
        %dma_wait3A_201 = tpu.memref_slice %arg11[%dma_wait3A_199, %dma_wait3A_200] : memref<10112x64xf32, #tpu.memory_space<vmem_shared>> -> memref<10112x64xf32, #tpu.memory_space<vmem_shared>>
        tpu.wait_indirect_dma semaphore(%run_scoped3A : memref<!tpu.dma_semaphore, #tpu.memory_space<semaphore_mem>>) src(%arg9 : memref<256x64xf32, #tpu.memory_space<vmem>>) dst(%dma_wait3A_201 : memref<10112x64xf32, #tpu.memory_space<vmem_shared>>)
        tpu.yield
      }) : () -> ()
    }
    %while3A_96 = arith.constant 1 : i32
    scf.for %while3A_98 = %while3A_94 to %while3A_90 step %while3A_96  : i32 {
      %dma_start3A_99 = arith.constant 0 : i32
      %dma_start3A_100 = tpu.memref_slice %arg7[%while3A_98, %dma_start3A_99] : memref<40x256xi32, #tpu.memory_space<vmem>> -> memref<1x256xi32, #tpu.memory_space<vmem>>
      %dma_start3A_101 = tpu.memref_squeeze %dma_start3A_100 : memref<1x256xi32, #tpu.memory_space<vmem>> -> memref<256xi32, #tpu.memory_space<vmem>>
      %dma_start3A_102 = arith.constant 0 : i32
      %dma_start3A_103 = arith.constant 0 : i32
      %dma_start3A_104 = tpu.memref_slice %arg12[%dma_start3A_102, %dma_start3A_103] : memref<10016x64xf32, #tpu.memory_space<vmem_shared>> -> memref<10016x64xf32, #tpu.memory_space<vmem_shared>>
      tpu.enqueue_indirect_dma source(%dma_start3A_104 : memref<10016x64xf32, #tpu.memory_space<vmem_shared>>) target(%arg9 : memref<256x64xf32, #tpu.memory_space<vmem>>) offsets(%dma_start3A_101 : memref<256xi32, #tpu.memory_space<vmem>>) semaphore(%arg13 : memref<!tpu.dma_semaphore, #tpu.memory_space<semaphore_mem>>)
      %get3A = arith.constant 0 : i32
      %get3A_105 = tpu.memref_slice %arg8[%while3A_98, %get3A] : memref<40x256xi32, #tpu.memory_space<vmem>> -> memref<1x256xi32, #tpu.memory_space<vmem>>
      %get3A_106 = tpu.memref_squeeze %get3A_105 : memref<1x256xi32, #tpu.memory_space<vmem>> -> memref<256xi32, #tpu.memory_space<vmem>>
      %get3A_107 = arith.constant 0 : index
      %get3A_108 = tpu.vector_load %get3A_106[%get3A_107] {strides = array<i32>} : memref<256xi32, #tpu.memory_space<vmem>>, vector<16xi32>,
      tpu.vector_store_idx %arg10[%get3A_108], %broadcast_in_dim3A_87 {add = true} : memref<10016xf32, #tpu.memory_space<vmem>>[vector<16xi32>], vector<16xf32>,
      %get3A_109 = arith.constant 0 : i32
      %get3A_110 = tpu.memref_slice %arg8[%while3A_98, %get3A_109] : memref<40x256xi32, #tpu.memory_space<vmem>> -> memref<1x256xi32, #tpu.memory_space<vmem>>
      %get3A_111 = tpu.memref_squeeze %get3A_110 : memref<1x256xi32, #tpu.memory_space<vmem>> -> memref<256xi32, #tpu.memory_space<vmem>>
      %get3A_112 = arith.constant 16 : index
      %get3A_113 = tpu.vector_load %get3A_111[%get3A_112] {strides = array<i32>} : memref<256xi32, #tpu.memory_space<vmem>>, vector<16xi32>,
      tpu.vector_store_idx %arg10[%get3A_113], %broadcast_in_dim3A_87 {add = true} : memref<10016xf32, #tpu.memory_space<vmem>>[vector<16xi32>], vector<16xf32>,
      %get3A_114 = arith.constant 0 : i32
      %get3A_115 = tpu.memref_slice %arg8[%while3A_98, %get3A_114] : memref<40x256xi32, #tpu.memory_space<vmem>> -> memref<1x256xi32, #tpu.memory_space<vmem>>
      %get3A_116 = tpu.memref_squeeze %get3A_115 : memref<1x256xi32, #tpu.memory_space<vmem>> -> memref<256xi32, #tpu.memory_space<vmem>>
      %get3A_117 = arith.constant 32 : index
      %get3A_118 = tpu.vector_load %get3A_116[%get3A_117] {strides = array<i32>} : memref<256xi32, #tpu.memory_space<vmem>>, vector<16xi32>,
      tpu.vector_store_idx %arg10[%get3A_118], %broadcast_in_dim3A_87 {add = true} : memref<10016xf32, #tpu.memory_space<vmem>>[vector<16xi32>], vector<16xf32>,
      %get3A_119 = arith.constant 0 : i32
      %get3A_120 = tpu.memref_slice %arg8[%while3A_98, %get3A_119] : memref<40x256xi32, #tpu.memory_space<vmem>> -> memref<1x256xi32, #tpu.memory_space<vmem>>
      %get3A_121 = tpu.memref_squeeze %get3A_120 : memref<1x256xi32, #tpu.memory_space<vmem>> -> memref<256xi32, #tpu.memory_space<vmem>>
      %get3A_122 = arith.constant 48 : index
      %get3A_123 = tpu.vector_load %get3A_121[%get3A_122] {strides = array<i32>} : memref<256xi32, #tpu.memory_space<vmem>>, vector<16xi32>,
      tpu.vector_store_idx %arg10[%get3A_123], %broadcast_in_dim3A_87 {add = true} : memref<10016xf32, #tpu.memory_space<vmem>>[vector<16xi32>], vector<16xf32>,
      %get3A_124 = arith.constant 0 : i32
      %get3A_125 = tpu.memref_slice %arg8[%while3A_98, %get3A_124] : memref<40x256xi32, #tpu.memory_space<vmem>> -> memref<1x256xi32, #tpu.memory_space<vmem>>
      %get3A_126 = tpu.memref_squeeze %get3A_125 : memref<1x256xi32, #tpu.memory_space<vmem>> -> memref<256xi32, #tpu.memory_space<vmem>>
      %get3A_127 = arith.constant 64 : index
      %get3A_128 = tpu.vector_load %get3A_126[%get3A_127] {strides = array<i32>} : memref<256xi32, #tpu.memory_space<vmem>>, vector<16xi32>,
      tpu.vector_store_idx %arg10[%get3A_128], %broadcast_in_dim3A_87 {add = true} : memref<10016xf32, #tpu.memory_space<vmem>>[vector<16xi32>], vector<16xf32>,
      %get3A_129 = arith.constant 0 : i32
      %get3A_130 = tpu.memref_slice %arg8[%while3A_98, %get3A_129] : memref<40x256xi32, #tpu.memory_space<vmem>> -> memref<1x256xi32, #tpu.memory_space<vmem>>
      %get3A_131 = tpu.memref_squeeze %get3A_130 : memref<1x256xi32, #tpu.memory_space<vmem>> -> memref<256xi32, #tpu.memory_space<vmem>>
      %get3A_132 = arith.constant 80 : index
      %get3A_133 = tpu.vector_load %get3A_131[%get3A_132] {strides = array<i32>} : memref<256xi32, #tpu.memory_space<vmem>>, vector<16xi32>,
      tpu.vector_store_idx %arg10[%get3A_133], %broadcast_in_dim3A_87 {add = true} : memref<10016xf32, #tpu.memory_space<vmem>>[vector<16xi32>], vector<16xf32>,
      %get3A_134 = arith.constant 0 : i32
      %get3A_135 = tpu.memref_slice %arg8[%while3A_98, %get3A_134] : memref<40x256xi32, #tpu.memory_space<vmem>> -> memref<1x256xi32, #tpu.memory_space<vmem>>
      %get3A_136 = tpu.memref_squeeze %get3A_135 : memref<1x256xi32, #tpu.memory_space<vmem>> -> memref<256xi32, #tpu.memory_space<vmem>>
      %get3A_137 = arith.constant 96 : index
      %get3A_138 = tpu.vector_load %get3A_136[%get3A_137] {strides = array<i32>} : memref<256xi32, #tpu.memory_space<vmem>>, vector<16xi32>,
      tpu.vector_store_idx %arg10[%get3A_138], %broadcast_in_dim3A_87 {add = true} : memref<10016xf32, #tpu.memory_space<vmem>>[vector<16xi32>], vector<16xf32>,
      %get3A_139 = arith.constant 0 : i32
      %get3A_140 = tpu.memref_slice %arg8[%while3A_98, %get3A_139] : memref<40x256xi32, #tpu.memory_space<vmem>> -> memref<1x256xi32, #tpu.memory_space<vmem>>
      %get3A_141 = tpu.memref_squeeze %get3A_140 : memref<1x256xi32, #tpu.memory_space<vmem>> -> memref<256xi32, #tpu.memory_space<vmem>>
      %get3A_142 = arith.constant 112 : index
      %get3A_143 = tpu.vector_load %get3A_141[%get3A_142] {strides = array<i32>} : memref<256xi32, #tpu.memory_space<vmem>>, vector<16xi32>,
      tpu.vector_store_idx %arg10[%get3A_143], %broadcast_in_dim3A_87 {add = true} : memref<10016xf32, #tpu.memory_space<vmem>>[vector<16xi32>], vector<16xf32>,
      %get3A_144 = arith.constant 0 : i32
      %get3A_145 = tpu.memref_slice %arg8[%while3A_98, %get3A_144] : memref<40x256xi32, #tpu.memory_space<vmem>> -> memref<1x256xi32, #tpu.memory_space<vmem>>
      %get3A_146 = tpu.memref_squeeze %get3A_145 : memref<1x256xi32, #tpu.memory_space<vmem>> -> memref<256xi32, #tpu.memory_space<vmem>>
      %get3A_147 = arith.constant 128 : index
      %get3A_148 = tpu.vector_load %get3A_146[%get3A_147] {strides = array<i32>} : memref<256xi32, #tpu.memory_space<vmem>>, vector<16xi32>,
      tpu.vector_store_idx %arg10[%get3A_148], %broadcast_in_dim3A_87 {add = true} : memref<10016xf32, #tpu.memory_space<vmem>>[vector<16xi32>], vector<16xf32>,
      %get3A_149 = arith.constant 0 : i32
      %get3A_150 = tpu.memref_slice %arg8[%while3A_98, %get3A_149] : memref<40x256xi32, #tpu.memory_space<vmem>> -> memref<1x256xi32, #tpu.memory_space<vmem>>
      %get3A_151 = tpu.memref_squeeze %get3A_150 : memref<1x256xi32, #tpu.memory_space<vmem>> -> memref<256xi32, #tpu.memory_space<vmem>>
      %get3A_152 = arith.constant 144 : index
      %get3A_153 = tpu.vector_load %get3A_151[%get3A_152] {strides = array<i32>} : memref<256xi32, #tpu.memory_space<vmem>>, vector<16xi32>,
      tpu.vector_store_idx %arg10[%get3A_153], %broadcast_in_dim3A_87 {add = true} : memref<10016xf32, #tpu.memory_space<vmem>>[vector<16xi32>], vector<16xf32>,
      %get3A_154 = arith.constant 0 : i32
      %get3A_155 = tpu.memref_slice %arg8[%while3A_98, %get3A_154] : memref<40x256xi32, #tpu.memory_space<vmem>> -> memref<1x256xi32, #tpu.memory_space<vmem>>
      %get3A_156 = tpu.memref_squeeze %get3A_155 : memref<1x256xi32, #tpu.memory_space<vmem>> -> memref<256xi32, #tpu.memory_space<vmem>>
      %get3A_157 = arith.constant 160 : index
      %get3A_158 = tpu.vector_load %get3A_156[%get3A_157] {strides = array<i32>} : memref<256xi32, #tpu.memory_space<vmem>>, vector<16xi32>,
      tpu.vector_store_idx %arg10[%get3A_158], %broadcast_in_dim3A_87 {add = true} : memref<10016xf32, #tpu.memory_space<vmem>>[vector<16xi32>], vector<16xf32>,
      %get3A_159 = arith.constant 0 : i32
      %get3A_160 = tpu.memref_slice %arg8[%while3A_98, %get3A_159] : memref<40x256xi32, #tpu.memory_space<vmem>> -> memref<1x256xi32, #tpu.memory_space<vmem>>
      %get3A_161 = tpu.memref_squeeze %get3A_160 : memref<1x256xi32, #tpu.memory_space<vmem>> -> memref<256xi32, #tpu.memory_space<vmem>>
      %get3A_162 = arith.constant 176 : index
      %get3A_163 = tpu.vector_load %get3A_161[%get3A_162] {strides = array<i32>} : memref<256xi32, #tpu.memory_space<vmem>>, vector<16xi32>,
      tpu.vector_store_idx %arg10[%get3A_163], %broadcast_in_dim3A_87 {add = true} : memref<10016xf32, #tpu.memory_space<vmem>>[vector<16xi32>], vector<16xf32>,
      %get3A_164 = arith.constant 0 : i32
      %get3A_165 = tpu.memref_slice %arg8[%while3A_98, %get3A_164] : memref<40x256xi32, #tpu.memory_space<vmem>> -> memref<1x256xi32, #tpu.memory_space<vmem>>
      %get3A_166 = tpu.memref_squeeze %get3A_165 : memref<1x256xi32, #tpu.memory_space<vmem>> -> memref<256xi32, #tpu.memory_space<vmem>>
      %get3A_167 = arith.constant 192 : index
      %get3A_168 = tpu.vector_load %get3A_166[%get3A_167] {strides = array<i32>} : memref<256xi32, #tpu.memory_space<vmem>>, vector<16xi32>,
      tpu.vector_store_idx %arg10[%get3A_168], %broadcast_in_dim3A_87 {add = true} : memref<10016xf32, #tpu.memory_space<vmem>>[vector<16xi32>], vector<16xf32>,
      %get3A_169 = arith.constant 0 : i32
      %get3A_170 = tpu.memref_slice %arg8[%while3A_98, %get3A_169] : memref<40x256xi32, #tpu.memory_space<vmem>> -> memref<1x256xi32, #tpu.memory_space<vmem>>
      %get3A_171 = tpu.memref_squeeze %get3A_170 : memref<1x256xi32, #tpu.memory_space<vmem>> -> memref<256xi32, #tpu.memory_space<vmem>>
      %get3A_172 = arith.constant 208 : index
      %get3A_173 = tpu.vector_load %get3A_171[%get3A_172] {strides = array<i32>} : memref<256xi32, #tpu.memory_space<vmem>>, vector<16xi32>,
      tpu.vector_store_idx %arg10[%get3A_173], %broadcast_in_dim3A_87 {add = true} : memref<10016xf32, #tpu.memory_space<vmem>>[vector<16xi32>], vector<16xf32>,
      %get3A_174 = arith.constant 0 : i32
      %get3A_175 = tpu.memref_slice %arg8[%while3A_98, %get3A_174] : memref<40x256xi32, #tpu.memory_space<vmem>> -> memref<1x256xi32, #tpu.memory_space<vmem>>
      %get3A_176 = tpu.memref_squeeze %get3A_175 : memref<1x256xi32, #tpu.memory_space<vmem>> -> memref<256xi32, #tpu.memory_space<vmem>>
      %get3A_177 = arith.constant 224 : index
      %get3A_178 = tpu.vector_load %get3A_176[%get3A_177] {strides = array<i32>} : memref<256xi32, #tpu.memory_space<vmem>>, vector<16xi32>,
      tpu.vector_store_idx %arg10[%get3A_178], %broadcast_in_dim3A_87 {add = true} : memref<10016xf32, #tpu.memory_space<vmem>>[vector<16xi32>], vector<16xf32>,
      %get3A_179 = arith.constant 0 : i32
      %get3A_180 = tpu.memref_slice %arg8[%while3A_98, %get3A_179] : memref<40x256xi32, #tpu.memory_space<vmem>> -> memref<1x256xi32, #tpu.memory_space<vmem>>
      %get3A_181 = tpu.memref_squeeze %get3A_180 : memref<1x256xi32, #tpu.memory_space<vmem>> -> memref<256xi32, #tpu.memory_space<vmem>>
      %get3A_182 = arith.constant 240 : index
      %get3A_183 = tpu.vector_load %get3A_181[%get3A_182] {strides = array<i32>} : memref<256xi32, #tpu.memory_space<vmem>>, vector<16xi32>,
      tpu.vector_store_idx %arg10[%get3A_183], %broadcast_in_dim3A_87 {add = true} : memref<10016xf32, #tpu.memory_space<vmem>>[vector<16xi32>], vector<16xf32>,
      %dma_wait3A_184 = arith.constant 0 : i32
      %dma_wait3A_185 = tpu.memref_slice %arg7[%while3A_98, %dma_wait3A_184] : memref<40x256xi32, #tpu.memory_space<vmem>> -> memref<1x256xi32, #tpu.memory_space<vmem>>
      %dma_wait3A_186 = tpu.memref_squeeze %dma_wait3A_185 : memref<1x256xi32, #tpu.memory_space<vmem>> -> memref<256xi32, #tpu.memory_space<vmem>>
      %dma_wait3A_187 = arith.constant 0 : i32
      %dma_wait3A_188 = arith.constant 0 : i32
      %dma_wait3A_189 = tpu.memref_slice %arg12[%dma_wait3A_187, %dma_wait3A_188] : memref<10016x64xf32, #tpu.memory_space<vmem_shared>> -> memref<10016x64xf32, #tpu.memory_space<vmem_shared>>
      tpu.wait_indirect_dma semaphore(%arg13 : memref<!tpu.dma_semaphore, #tpu.memory_space<semaphore_mem>>) src(%dma_wait3A_189 : memref<10016x64xf32, #tpu.memory_space<vmem_shared>>) dst(%arg9 : memref<256x64xf32, #tpu.memory_space<vmem>>)
      "tpu.region"() ({
        %run_scoped3A = tpu.sem_alloc : memref<!tpu.dma_semaphore, #tpu.memory_space<semaphore_mem>>
        %dma_start3A_190 = arith.constant 0 : i32
        %dma_start3A_191 = tpu.memref_slice %arg8[%while3A_98, %dma_start3A_190] : memref<40x256xi32, #tpu.memory_space<vmem>> -> memref<1x256xi32, #tpu.memory_space<vmem>>
        %dma_start3A_192 = tpu.memref_squeeze %dma_start3A_191 : memref<1x256xi32, #tpu.memory_space<vmem>> -> memref<256xi32, #tpu.memory_space<vmem>>
        %dma_start3A_193 = arith.constant 0 : i32
        %dma_start3A_194 = arith.constant 0 : i32
        %dma_start3A_195 = tpu.memref_slice %arg11[%dma_start3A_193, %dma_start3A_194] : memref<10112x64xf32, #tpu.memory_space<vmem_shared>> -> memref<10112x64xf32, #tpu.memory_space<vmem_shared>>
        tpu.enqueue_indirect_dma source(%arg9 : memref<256x64xf32, #tpu.memory_space<vmem>>) target(%dma_start3A_195 : memref<10112x64xf32, #tpu.memory_space<vmem_shared>>) offsets(%dma_start3A_192 : memref<256xi32, #tpu.memory_space<vmem>>) semaphore(%run_scoped3A : memref<!tpu.dma_semaphore, #tpu.memory_space<semaphore_mem>>) {add = true}
        %dma_wait3A_196 = arith.constant 0 : i32
        %dma_wait3A_197 = tpu.memref_slice %arg8[%while3A_98, %dma_wait3A_196] : memref<40x256xi32, #tpu.memory_space<vmem>> -> memref<1x256xi32, #tpu.memory_space<vmem>>
        %dma_wait3A_198 = tpu.memref_squeeze %dma_wait3A_197 : memref<1x256xi32, #tpu.memory_space<vmem>> -> memref<256xi32, #tpu.memory_space<vmem>>
        %dma_wait3A_199 = arith.constant 0 : i32
        %dma_wait3A_200 = arith.constant 0 : i32
        %dma_wait3A_201 = tpu.memref_slice %arg11[%dma_wait3A_199, %dma_wait3A_200] : memref<10112x64xf32, #tpu.memory_space<vmem_shared>> -> memref<10112x64xf32, #tpu.memory_space<vmem_shared>>
        tpu.wait_indirect_dma semaphore(%run_scoped3A : memref<!tpu.dma_semaphore, #tpu.memory_space<semaphore_mem>>) src(%arg9 : memref<256x64xf32, #tpu.memory_space<vmem>>) dst(%dma_wait3A_201 : memref<10112x64xf32, #tpu.memory_space<vmem_shared>>)
        tpu.yield
      }) : () -> ()
    }
    "tpu.region"() ({
      %run_scoped3A = tpu.sem_alloc : memref<!tpu.dma_semaphore, #tpu.memory_space<semaphore_mem>>
      %dma_start3A_98 = arith.constant 0 : i32
      %dma_start3A_99 = tpu.memref_slice %arg6[%add3A, %dma_start3A_98] : memref<32x10016xf32, #tpu.memory_space<hbm>> -> memref<1x10016xf32, #tpu.memory_space<hbm>>
      %dma_start3A_100 = tpu.memref_squeeze %dma_start3A_99 : memref<1x10016xf32, #tpu.memory_space<hbm>> -> memref<10016xf32, #tpu.memory_space<hbm>>
      %dma_start3A_101 = arith.constant 0 : i32
      %dma_start3A_102 = tpu.memref_slice %arg6[%add3A, %dma_start3A_101] : memref<32x10016xf32, #tpu.memory_space<hbm>> -> memref<1x10016xf32, #tpu.memory_space<hbm>>
      %dma_start3A_103 = tpu.memref_squeeze %dma_start3A_102 : memref<1x10016xf32, #tpu.memory_space<hbm>> -> memref<10016xf32, #tpu.memory_space<hbm>>
      tpu.enqueue_dma source(%arg10 : memref<10016xf32, #tpu.memory_space<vmem>>) target(%dma_start3A_103 : memref<10016xf32, #tpu.memory_space<hbm>>) target_semaphore(%run_scoped3A : memref<!tpu.dma_semaphore, #tpu.memory_space<semaphore_mem>>)
      %dma_wait3A_104 = arith.constant 0 : i32
      %dma_wait3A_105 = tpu.memref_slice %arg6[%add3A, %dma_wait3A_104] : memref<32x10016xf32, #tpu.memory_space<hbm>> -> memref<1x10016xf32, #tpu.memory_space<hbm>>
      %dma_wait3A_106 = tpu.memref_squeeze %dma_wait3A_105 : memref<1x10016xf32, #tpu.memory_space<hbm>> -> memref<10016xf32, #tpu.memory_space<hbm>>
      %dma_wait3A_107 = arith.constant 0 : i32
      %dma_wait3A_108 = tpu.memref_slice %arg6[%add3A, %dma_wait3A_107] : memref<32x10016xf32, #tpu.memory_space<hbm>> -> memref<1x10016xf32, #tpu.memory_space<hbm>>
      %dma_wait3A_109 = tpu.memref_squeeze %dma_wait3A_108 : memref<1x10016xf32, #tpu.memory_space<hbm>> -> memref<10016xf32, #tpu.memory_space<hbm>>
      tpu.wait_dma2 semaphore(%run_scoped3A : memref<!tpu.dma_semaphore, #tpu.memory_space<semaphore_mem>>) src(%arg10 : memref<10016xf32, #tpu.memory_space<vmem>>) dst(%dma_wait3A_109 : memref<10016xf32, #tpu.memory_space<hbm>>)
      tpu.yield
    }) : () -> ()
    %barrier3A_97 = arith.constant 0 : index
    tpu.barrier barrier_id(%barrier3A_97)
    "tpu.region"() ({
      %run_scoped3A = tpu.sem_alloc : memref<!tpu.dma_semaphore, #tpu.memory_space<semaphore_mem>>
      %dma_start3A_98 = arith.constant 0 : i32
      %dma_start3A_99 = tpu.memref_slice %arg5[%arg0, %mul3A_2, %dma_start3A_98] : memref<2x10112x64xf32, #tpu.memory_space<hbm>> -> memref<1x632x64xf32, #tpu.memory_space<hbm>>
      %dma_start3A_100 = tpu.memref_squeeze %dma_start3A_99 : memref<1x632x64xf32, #tpu.memory_space<hbm>> -> memref<632x64xf32, #tpu.memory_space<hbm>>
      %dma_start3A_101 = arith.constant 0 : i32
      %dma_start3A_102 = tpu.memref_slice %arg11[%mul3A_2, %dma_start3A_101] : memref<10112x64xf32, #tpu.memory_space<vmem_shared>> -> memref<632x64xf32, #tpu.memory_space<vmem_shared>>
      tpu.enqueue_dma source(%dma_start3A_102 : memref<632x64xf32, #tpu.memory_space<vmem_shared>>) target(%dma_start3A_100 : memref<632x64xf32, #tpu.memory_space<hbm>>) target_semaphore(%run_scoped3A : memref<!tpu.dma_semaphore, #tpu.memory_space<semaphore_mem>>)
      %dma_wait3A_103 = arith.constant 0 : i32
      %dma_wait3A_104 = tpu.memref_slice %arg5[%arg0, %mul3A_2, %dma_wait3A_103] : memref<2x10112x64xf32, #tpu.memory_space<hbm>> -> memref<1x632x64xf32, #tpu.memory_space<hbm>>
      %dma_wait3A_105 = tpu.memref_squeeze %dma_wait3A_104 : memref<1x632x64xf32, #tpu.memory_space<hbm>> -> memref<632x64xf32, #tpu.memory_space<hbm>>
      %dma_wait3A_106 = arith.constant 0 : i32
      %dma_wait3A_107 = tpu.memref_slice %arg11[%mul3A_2, %dma_wait3A_106] : memref<10112x64xf32, #tpu.memory_space<vmem_shared>> -> memref<632x64xf32, #tpu.memory_space<vmem_shared>>
      tpu.wait_dma2 semaphore(%run_scoped3A : memref<!tpu.dma_semaphore, #tpu.memory_space<semaphore_mem>>) src(%dma_wait3A_107 : memref<632x64xf32, #tpu.memory_space<vmem_shared>>) dst(%dma_wait3A_105 : memref<632x64xf32, #tpu.memory_space<hbm>>)
      tpu.yield
    }) : () -> ()
    return
  }
}

#map = affine_map<(d0, d1) -> (0, 0)>
#map1 = affine_map<(d0, d1) -> (0, 0, 0)>
module attributes {stable_mosaic.version = 14 : i64} {
  func.func @body(%arg0: i32, %arg1: i32, %arg2: memref<10016x16xf32, #tpu.memory_space<hbm>>, %arg3: memref<2x1250x256xi32, #tpu.memory_space<hbm>>, %arg4: memref<10112x16xf32, #tpu.memory_space<hbm>>, %arg5: memref<2x10112x16xf32, #tpu.memory_space<hbm>>, %arg6: memref<40x256xi32, #tpu.memory_space<vmem>>, %arg7: memref<40x256xi32, #tpu.memory_space<vmem>>, %arg8: memref<256x16xf32, #tpu.memory_space<vmem>>, %arg9: memref<10112x16xf32, #tpu.memory_space<vmem_shared>>, %arg10: memref<10016x16xf32, #tpu.memory_space<vmem_shared>>, %arg11: memref<!tpu.dma_semaphore, #tpu.memory_space<semaphore_mem>>) attributes {dimension_semantics = [#tpu.dimension_semantics<core_parallel>, #tpu.dimension_semantics<subcore_parallel>], iteration_bounds = array<i64: 2, 16>, scalar_prefetch = 0 : i64, scratch_operands = 6 : i64, tpu.core_type = #tpu.core_type<sc_vector_subcore>, window_params = [{transform_indices = #map}, {transform_indices = #map1}, {transform_indices = #map}, {transform_indices = #map1}]} {
    %mul3A = arith.constant 2 : i32
    %mul3A_0 = arith.muli %arg1, %mul3A : i32
    %add3A = arith.addi %mul3A_0, %arg0 : i32
    %mul3A_1 = arith.constant 632 : i32
    %mul3A_2 = arith.muli %arg1, %mul3A_1 : i32
    %mul3A_3 = arith.constant 39 : i32
    %mul3A_4 = arith.muli %add3A, %mul3A_3 : i32
    %mul3A_5 = arith.constant 39 : i32
    %mul3A_6 = arith.muli %add3A, %mul3A_5 : i32
    %mul3A_7 = arith.constant 626 : i32
    %mul3A_8 = arith.muli %arg1, %mul3A_7 : i32
    %dma_start3A = arith.constant 0 : i32
    %dma_start3A_9 = tpu.memref_slice %arg9[%mul3A_2, %dma_start3A] : memref<10112x16xf32, #tpu.memory_space<vmem_shared>> -> memref<632x16xf32, #tpu.memory_space<vmem_shared>>
    %dma_start3A_10 = arith.constant 0 : i32
    %dma_start3A_11 = tpu.memref_slice %arg4[%mul3A_2, %dma_start3A_10] : memref<10112x16xf32, #tpu.memory_space<hbm>> -> memref<632x16xf32, #tpu.memory_space<hbm>>
    tpu.enqueue_dma source(%dma_start3A_11 : memref<632x16xf32, #tpu.memory_space<hbm>>) target(%dma_start3A_9 : memref<632x16xf32, #tpu.memory_space<vmem_shared>>) target_semaphore(%arg11 : memref<!tpu.dma_semaphore, #tpu.memory_space<semaphore_mem>>)
    %dma_start3A_12 = arith.constant 0 : i32
    %dma_start3A_13 = arith.constant 0 : i32
    %dma_start3A_14 = arith.constant 0 : i32
    %dma_start3A_15 = tpu.memref_slice %arg6[%dma_start3A_13, %dma_start3A_14] : memref<40x256xi32, #tpu.memory_space<vmem>> -> memref<39x256xi32, #tpu.memory_space<vmem>>
    %dma_start3A_16 = arith.constant 0 : i32
    %dma_start3A_17 = tpu.memref_slice %arg3[%dma_start3A_12, %mul3A_4, %dma_start3A_16] : memref<2x1250x256xi32, #tpu.memory_space<hbm>> -> memref<1x39x256xi32, #tpu.memory_space<hbm>>
    %dma_start3A_18 = tpu.memref_squeeze %dma_start3A_17 : memref<1x39x256xi32, #tpu.memory_space<hbm>> -> memref<39x256xi32, #tpu.memory_space<hbm>>
    %dma_start3A_19 = arith.constant 0 : i32
    %dma_start3A_20 = arith.constant 0 : i32
    %dma_start3A_21 = tpu.memref_slice %arg6[%dma_start3A_19, %dma_start3A_20] : memref<40x256xi32, #tpu.memory_space<vmem>> -> memref<39x256xi32, #tpu.memory_space<vmem>>
    %dma_start3A_22 = arith.constant 0 : i32
    %dma_start3A_23 = tpu.memref_slice %arg3[%dma_start3A_12, %mul3A_4, %dma_start3A_22] : memref<2x1250x256xi32, #tpu.memory_space<hbm>> -> memref<1x39x256xi32, #tpu.memory_space<hbm>>
    %dma_start3A_24 = tpu.memref_squeeze %dma_start3A_23 : memref<1x39x256xi32, #tpu.memory_space<hbm>> -> memref<39x256xi32, #tpu.memory_space<hbm>>
    tpu.enqueue_dma source(%dma_start3A_24 : memref<39x256xi32, #tpu.memory_space<hbm>>) target(%dma_start3A_21 : memref<39x256xi32, #tpu.memory_space<vmem>>) target_semaphore(%arg11 : memref<!tpu.dma_semaphore, #tpu.memory_space<semaphore_mem>>)
    %dma_start3A_25 = arith.constant 1 : i32
    %dma_start3A_26 = arith.constant 0 : i32
    %dma_start3A_27 = arith.constant 0 : i32
    %dma_start3A_28 = tpu.memref_slice %arg7[%dma_start3A_26, %dma_start3A_27] : memref<40x256xi32, #tpu.memory_space<vmem>> -> memref<39x256xi32, #tpu.memory_space<vmem>>
    %dma_start3A_29 = arith.constant 0 : i32
    %dma_start3A_30 = tpu.memref_slice %arg3[%dma_start3A_25, %mul3A_6, %dma_start3A_29] : memref<2x1250x256xi32, #tpu.memory_space<hbm>> -> memref<1x39x256xi32, #tpu.memory_space<hbm>>
    %dma_start3A_31 = tpu.memref_squeeze %dma_start3A_30 : memref<1x39x256xi32, #tpu.memory_space<hbm>> -> memref<39x256xi32, #tpu.memory_space<hbm>>
    %dma_start3A_32 = arith.constant 0 : i32
    %dma_start3A_33 = arith.constant 0 : i32
    %dma_start3A_34 = tpu.memref_slice %arg7[%dma_start3A_32, %dma_start3A_33] : memref<40x256xi32, #tpu.memory_space<vmem>> -> memref<39x256xi32, #tpu.memory_space<vmem>>
    %dma_start3A_35 = arith.constant 0 : i32
    %dma_start3A_36 = tpu.memref_slice %arg3[%dma_start3A_25, %mul3A_6, %dma_start3A_35] : memref<2x1250x256xi32, #tpu.memory_space<hbm>> -> memref<1x39x256xi32, #tpu.memory_space<hbm>>
    %dma_start3A_37 = tpu.memref_squeeze %dma_start3A_36 : memref<1x39x256xi32, #tpu.memory_space<hbm>> -> memref<39x256xi32, #tpu.memory_space<hbm>>
    tpu.enqueue_dma source(%dma_start3A_37 : memref<39x256xi32, #tpu.memory_space<hbm>>) target(%dma_start3A_34 : memref<39x256xi32, #tpu.memory_space<vmem>>) target_semaphore(%arg11 : memref<!tpu.dma_semaphore, #tpu.memory_space<semaphore_mem>>)
    %dma_start3A_38 = arith.constant 0 : i32
    %dma_start3A_39 = tpu.memref_slice %arg10[%mul3A_8, %dma_start3A_38] : memref<10016x16xf32, #tpu.memory_space<vmem_shared>> -> memref<626x16xf32, #tpu.memory_space<vmem_shared>>
    %dma_start3A_40 = arith.constant 0 : i32
    %dma_start3A_41 = tpu.memref_slice %arg2[%mul3A_8, %dma_start3A_40] : memref<10016x16xf32, #tpu.memory_space<hbm>> -> memref<626x16xf32, #tpu.memory_space<hbm>>
    tpu.enqueue_dma source(%dma_start3A_41 : memref<626x16xf32, #tpu.memory_space<hbm>>) target(%dma_start3A_39 : memref<626x16xf32, #tpu.memory_space<vmem_shared>>) target_semaphore(%arg11 : memref<!tpu.dma_semaphore, #tpu.memory_space<semaphore_mem>>)
    %lt3A = arith.constant 2 : i32
    %lt3A_42 = arith.cmpi slt, %add3A, %lt3A : i32
    %convert_element_type3A = arith.extui %lt3A_42 : i1 to i32
    %cond3A = arith.constant 0 : i32
    %cond3A_43 = arith.cmpi ne, %convert_element_type3A, %cond3A : i32
    scf.if %cond3A_43 {
      %add3A_92 = arith.constant 1248 : i32
      %add3A_93 = arith.addi %add3A_92, %add3A : i32
      %run_scoped3A = arith.constant 0 : i32
      %run_scoped3A_94 = arith.constant 39 : i32
      "tpu.region"() ({
        %run_scoped3A_99 = tpu.sem_alloc : memref<!tpu.dma_semaphore, #tpu.memory_space<semaphore_mem>>
        %dma_start3A_100 = arith.constant 0 : i32
        %dma_start3A_101 = tpu.memref_slice %arg6[%run_scoped3A_94, %dma_start3A_100] : memref<40x256xi32, #tpu.memory_space<vmem>> -> memref<1x256xi32, #tpu.memory_space<vmem>>
        %dma_start3A_102 = tpu.memref_squeeze %dma_start3A_101 : memref<1x256xi32, #tpu.memory_space<vmem>> -> memref<256xi32, #tpu.memory_space<vmem>>
        %dma_start3A_103 = arith.constant 0 : i32
        %dma_start3A_104 = tpu.memref_slice %arg3[%run_scoped3A, %add3A_93, %dma_start3A_103] : memref<2x1250x256xi32, #tpu.memory_space<hbm>> -> memref<1x1x256xi32, #tpu.memory_space<hbm>>
        %dma_start3A_105 = tpu.memref_squeeze %dma_start3A_104 : memref<1x1x256xi32, #tpu.memory_space<hbm>> -> memref<256xi32, #tpu.memory_space<hbm>>
        %dma_start3A_106 = arith.constant 0 : i32
        %dma_start3A_107 = tpu.memref_slice %arg6[%run_scoped3A_94, %dma_start3A_106] : memref<40x256xi32, #tpu.memory_space<vmem>> -> memref<1x256xi32, #tpu.memory_space<vmem>>
        %dma_start3A_108 = tpu.memref_squeeze %dma_start3A_107 : memref<1x256xi32, #tpu.memory_space<vmem>> -> memref<256xi32, #tpu.memory_space<vmem>>
        %dma_start3A_109 = arith.constant 0 : i32
        %dma_start3A_110 = tpu.memref_slice %arg3[%run_scoped3A, %add3A_93, %dma_start3A_109] : memref<2x1250x256xi32, #tpu.memory_space<hbm>> -> memref<1x1x256xi32, #tpu.memory_space<hbm>>
        %dma_start3A_111 = tpu.memref_squeeze %dma_start3A_110 : memref<1x1x256xi32, #tpu.memory_space<hbm>> -> memref<256xi32, #tpu.memory_space<hbm>>
        tpu.enqueue_dma source(%dma_start3A_111 : memref<256xi32, #tpu.memory_space<hbm>>) target(%dma_start3A_108 : memref<256xi32, #tpu.memory_space<vmem>>) target_semaphore(%run_scoped3A_99 : memref<!tpu.dma_semaphore, #tpu.memory_space<semaphore_mem>>)
        %dma_wait3A_112 = arith.constant 0 : i32
        %dma_wait3A_113 = tpu.memref_slice %arg6[%run_scoped3A_94, %dma_wait3A_112] : memref<40x256xi32, #tpu.memory_space<vmem>> -> memref<1x256xi32, #tpu.memory_space<vmem>>
        %dma_wait3A_114 = tpu.memref_squeeze %dma_wait3A_113 : memref<1x256xi32, #tpu.memory_space<vmem>> -> memref<256xi32, #tpu.memory_space<vmem>>
        %dma_wait3A_115 = arith.constant 0 : i32
        %dma_wait3A_116 = tpu.memref_slice %arg3[%run_scoped3A, %add3A_93, %dma_wait3A_115] : memref<2x1250x256xi32, #tpu.memory_space<hbm>> -> memref<1x1x256xi32, #tpu.memory_space<hbm>>
        %dma_wait3A_117 = tpu.memref_squeeze %dma_wait3A_116 : memref<1x1x256xi32, #tpu.memory_space<hbm>> -> memref<256xi32, #tpu.memory_space<hbm>>
        %dma_wait3A_118 = arith.constant 0 : i32
        %dma_wait3A_119 = tpu.memref_slice %arg6[%run_scoped3A_94, %dma_wait3A_118] : memref<40x256xi32, #tpu.memory_space<vmem>> -> memref<1x256xi32, #tpu.memory_space<vmem>>
        %dma_wait3A_120 = tpu.memref_squeeze %dma_wait3A_119 : memref<1x256xi32, #tpu.memory_space<vmem>> -> memref<256xi32, #tpu.memory_space<vmem>>
        %dma_wait3A_121 = arith.constant 0 : i32
        %dma_wait3A_122 = tpu.memref_slice %arg3[%run_scoped3A, %add3A_93, %dma_wait3A_121] : memref<2x1250x256xi32, #tpu.memory_space<hbm>> -> memref<1x1x256xi32, #tpu.memory_space<hbm>>
        %dma_wait3A_123 = tpu.memref_squeeze %dma_wait3A_122 : memref<1x1x256xi32, #tpu.memory_space<hbm>> -> memref<256xi32, #tpu.memory_space<hbm>>
        tpu.wait_dma2 semaphore(%run_scoped3A_99 : memref<!tpu.dma_semaphore, #tpu.memory_space<semaphore_mem>>) src(%dma_wait3A_123 : memref<256xi32, #tpu.memory_space<hbm>>) dst(%dma_wait3A_120 : memref<256xi32, #tpu.memory_space<vmem>>)
        tpu.yield
      }) : () -> ()
      %add3A_95 = arith.constant 1248 : i32
      %add3A_96 = arith.addi %add3A_95, %add3A : i32
      %run_scoped3A_97 = arith.constant 1 : i32
      %run_scoped3A_98 = arith.constant 39 : i32
      "tpu.region"() ({
        %run_scoped3A_99 = tpu.sem_alloc : memref<!tpu.dma_semaphore, #tpu.memory_space<semaphore_mem>>
        %dma_start3A_100 = arith.constant 0 : i32
        %dma_start3A_101 = tpu.memref_slice %arg7[%run_scoped3A_98, %dma_start3A_100] : memref<40x256xi32, #tpu.memory_space<vmem>> -> memref<1x256xi32, #tpu.memory_space<vmem>>
        %dma_start3A_102 = tpu.memref_squeeze %dma_start3A_101 : memref<1x256xi32, #tpu.memory_space<vmem>> -> memref<256xi32, #tpu.memory_space<vmem>>
        %dma_start3A_103 = arith.constant 0 : i32
        %dma_start3A_104 = tpu.memref_slice %arg3[%run_scoped3A_97, %add3A_96, %dma_start3A_103] : memref<2x1250x256xi32, #tpu.memory_space<hbm>> -> memref<1x1x256xi32, #tpu.memory_space<hbm>>
        %dma_start3A_105 = tpu.memref_squeeze %dma_start3A_104 : memref<1x1x256xi32, #tpu.memory_space<hbm>> -> memref<256xi32, #tpu.memory_space<hbm>>
        %dma_start3A_106 = arith.constant 0 : i32
        %dma_start3A_107 = tpu.memref_slice %arg7[%run_scoped3A_98, %dma_start3A_106] : memref<40x256xi32, #tpu.memory_space<vmem>> -> memref<1x256xi32, #tpu.memory_space<vmem>>
        %dma_start3A_108 = tpu.memref_squeeze %dma_start3A_107 : memref<1x256xi32, #tpu.memory_space<vmem>> -> memref<256xi32, #tpu.memory_space<vmem>>
        %dma_start3A_109 = arith.constant 0 : i32
        %dma_start3A_110 = tpu.memref_slice %arg3[%run_scoped3A_97, %add3A_96, %dma_start3A_109] : memref<2x1250x256xi32, #tpu.memory_space<hbm>> -> memref<1x1x256xi32, #tpu.memory_space<hbm>>
        %dma_start3A_111 = tpu.memref_squeeze %dma_start3A_110 : memref<1x1x256xi32, #tpu.memory_space<hbm>> -> memref<256xi32, #tpu.memory_space<hbm>>
        tpu.enqueue_dma source(%dma_start3A_111 : memref<256xi32, #tpu.memory_space<hbm>>) target(%dma_start3A_108 : memref<256xi32, #tpu.memory_space<vmem>>) target_semaphore(%run_scoped3A_99 : memref<!tpu.dma_semaphore, #tpu.memory_space<semaphore_mem>>)
        %dma_wait3A_112 = arith.constant 0 : i32
        %dma_wait3A_113 = tpu.memref_slice %arg7[%run_scoped3A_98, %dma_wait3A_112] : memref<40x256xi32, #tpu.memory_space<vmem>> -> memref<1x256xi32, #tpu.memory_space<vmem>>
        %dma_wait3A_114 = tpu.memref_squeeze %dma_wait3A_113 : memref<1x256xi32, #tpu.memory_space<vmem>> -> memref<256xi32, #tpu.memory_space<vmem>>
        %dma_wait3A_115 = arith.constant 0 : i32
        %dma_wait3A_116 = tpu.memref_slice %arg3[%run_scoped3A_97, %add3A_96, %dma_wait3A_115] : memref<2x1250x256xi32, #tpu.memory_space<hbm>> -> memref<1x1x256xi32, #tpu.memory_space<hbm>>
        %dma_wait3A_117 = tpu.memref_squeeze %dma_wait3A_116 : memref<1x1x256xi32, #tpu.memory_space<hbm>> -> memref<256xi32, #tpu.memory_space<hbm>>
        %dma_wait3A_118 = arith.constant 0 : i32
        %dma_wait3A_119 = tpu.memref_slice %arg7[%run_scoped3A_98, %dma_wait3A_118] : memref<40x256xi32, #tpu.memory_space<vmem>> -> memref<1x256xi32, #tpu.memory_space<vmem>>
        %dma_wait3A_120 = tpu.memref_squeeze %dma_wait3A_119 : memref<1x256xi32, #tpu.memory_space<vmem>> -> memref<256xi32, #tpu.memory_space<vmem>>
        %dma_wait3A_121 = arith.constant 0 : i32
        %dma_wait3A_122 = tpu.memref_slice %arg3[%run_scoped3A_97, %add3A_96, %dma_wait3A_121] : memref<2x1250x256xi32, #tpu.memory_space<hbm>> -> memref<1x1x256xi32, #tpu.memory_space<hbm>>
        %dma_wait3A_123 = tpu.memref_squeeze %dma_wait3A_122 : memref<1x1x256xi32, #tpu.memory_space<hbm>> -> memref<256xi32, #tpu.memory_space<hbm>>
        tpu.wait_dma2 semaphore(%run_scoped3A_99 : memref<!tpu.dma_semaphore, #tpu.memory_space<semaphore_mem>>) src(%dma_wait3A_123 : memref<256xi32, #tpu.memory_space<hbm>>) dst(%dma_wait3A_120 : memref<256xi32, #tpu.memory_space<vmem>>)
        tpu.yield
      }) : () -> ()
    } else {
    }
    %lt3A_44 = arith.constant 2 : i32
    %lt3A_45 = arith.cmpi slt, %add3A, %lt3A_44 : i32
    %jit3A = arith.constant 1 : i32
    %jit3A_46 = arith.constant 0 : i32
    %select_n3A = arith.select %lt3A_45, %jit3A, %jit3A_46 : i32
    %add3A_47 = arith.constant 39 : i32
    %add3A_48 = arith.addi %add3A_47, %select_n3A : i32
    %dma_wait3A = arith.constant 0 : i32
    %dma_wait3A_49 = tpu.memref_slice %arg9[%mul3A_2, %dma_wait3A] : memref<10112x16xf32, #tpu.memory_space<vmem_shared>> -> memref<632x16xf32, #tpu.memory_space<vmem_shared>>
    %dma_wait3A_50 = arith.constant 0 : i32
    %dma_wait3A_51 = tpu.memref_slice %arg4[%mul3A_2, %dma_wait3A_50] : memref<10112x16xf32, #tpu.memory_space<hbm>> -> memref<632x16xf32, #tpu.memory_space<hbm>>
    tpu.wait_dma2 semaphore(%arg11 : memref<!tpu.dma_semaphore, #tpu.memory_space<semaphore_mem>>) src(%dma_wait3A_51 : memref<632x16xf32, #tpu.memory_space<hbm>>) dst(%dma_wait3A_49 : memref<632x16xf32, #tpu.memory_space<vmem_shared>>)
    %dma_wait3A_52 = arith.constant 0 : i32
    %dma_wait3A_53 = arith.constant 0 : i32
    %dma_wait3A_54 = arith.constant 0 : i32
    %dma_wait3A_55 = tpu.memref_slice %arg6[%dma_wait3A_53, %dma_wait3A_54] : memref<40x256xi32, #tpu.memory_space<vmem>> -> memref<39x256xi32, #tpu.memory_space<vmem>>
    %dma_wait3A_56 = arith.constant 0 : i32
    %dma_wait3A_57 = tpu.memref_slice %arg3[%dma_wait3A_52, %mul3A_4, %dma_wait3A_56] : memref<2x1250x256xi32, #tpu.memory_space<hbm>> -> memref<1x39x256xi32, #tpu.memory_space<hbm>>
    %dma_wait3A_58 = tpu.memref_squeeze %dma_wait3A_57 : memref<1x39x256xi32, #tpu.memory_space<hbm>> -> memref<39x256xi32, #tpu.memory_space<hbm>>
    %dma_wait3A_59 = arith.constant 0 : i32
    %dma_wait3A_60 = arith.constant 0 : i32
    %dma_wait3A_61 = tpu.memref_slice %arg6[%dma_wait3A_59, %dma_wait3A_60] : memref<40x256xi32, #tpu.memory_space<vmem>> -> memref<39x256xi32, #tpu.memory_space<vmem>>
    %dma_wait3A_62 = arith.constant 0 : i32
    %dma_wait3A_63 = tpu.memref_slice %arg3[%dma_wait3A_52, %mul3A_4, %dma_wait3A_62] : memref<2x1250x256xi32, #tpu.memory_space<hbm>> -> memref<1x39x256xi32, #tpu.memory_space<hbm>>
    %dma_wait3A_64 = tpu.memref_squeeze %dma_wait3A_63 : memref<1x39x256xi32, #tpu.memory_space<hbm>> -> memref<39x256xi32, #tpu.memory_space<hbm>>
    tpu.wait_dma2 semaphore(%arg11 : memref<!tpu.dma_semaphore, #tpu.memory_space<semaphore_mem>>) src(%dma_wait3A_64 : memref<39x256xi32, #tpu.memory_space<hbm>>) dst(%dma_wait3A_61 : memref<39x256xi32, #tpu.memory_space<vmem>>)
    %dma_wait3A_65 = arith.constant 1 : i32
    %dma_wait3A_66 = arith.constant 0 : i32
    %dma_wait3A_67 = arith.constant 0 : i32
    %dma_wait3A_68 = tpu.memref_slice %arg7[%dma_wait3A_66, %dma_wait3A_67] : memref<40x256xi32, #tpu.memory_space<vmem>> -> memref<39x256xi32, #tpu.memory_space<vmem>>
    %dma_wait3A_69 = arith.constant 0 : i32
    %dma_wait3A_70 = tpu.memref_slice %arg3[%dma_wait3A_65, %mul3A_6, %dma_wait3A_69] : memref<2x1250x256xi32, #tpu.memory_space<hbm>> -> memref<1x39x256xi32, #tpu.memory_space<hbm>>
    %dma_wait3A_71 = tpu.memref_squeeze %dma_wait3A_70 : memref<1x39x256xi32, #tpu.memory_space<hbm>> -> memref<39x256xi32, #tpu.memory_space<hbm>>
    %dma_wait3A_72 = arith.constant 0 : i32
    %dma_wait3A_73 = arith.constant 0 : i32
    %dma_wait3A_74 = tpu.memref_slice %arg7[%dma_wait3A_72, %dma_wait3A_73] : memref<40x256xi32, #tpu.memory_space<vmem>> -> memref<39x256xi32, #tpu.memory_space<vmem>>
    %dma_wait3A_75 = arith.constant 0 : i32
    %dma_wait3A_76 = tpu.memref_slice %arg3[%dma_wait3A_65, %mul3A_6, %dma_wait3A_75] : memref<2x1250x256xi32, #tpu.memory_space<hbm>> -> memref<1x39x256xi32, #tpu.memory_space<hbm>>
    %dma_wait3A_77 = tpu.memref_squeeze %dma_wait3A_76 : memref<1x39x256xi32, #tpu.memory_space<hbm>> -> memref<39x256xi32, #tpu.memory_space<hbm>>
    tpu.wait_dma2 semaphore(%arg11 : memref<!tpu.dma_semaphore, #tpu.memory_space<semaphore_mem>>) src(%dma_wait3A_77 : memref<39x256xi32, #tpu.memory_space<hbm>>) dst(%dma_wait3A_74 : memref<39x256xi32, #tpu.memory_space<vmem>>)
    %dma_wait3A_78 = arith.constant 0 : i32
    %dma_wait3A_79 = tpu.memref_slice %arg10[%mul3A_8, %dma_wait3A_78] : memref<10016x16xf32, #tpu.memory_space<vmem_shared>> -> memref<626x16xf32, #tpu.memory_space<vmem_shared>>
    %dma_wait3A_80 = arith.constant 0 : i32
    %dma_wait3A_81 = tpu.memref_slice %arg2[%mul3A_8, %dma_wait3A_80] : memref<10016x16xf32, #tpu.memory_space<hbm>> -> memref<626x16xf32, #tpu.memory_space<hbm>>
    tpu.wait_dma2 semaphore(%arg11 : memref<!tpu.dma_semaphore, #tpu.memory_space<semaphore_mem>>) src(%dma_wait3A_81 : memref<626x16xf32, #tpu.memory_space<hbm>>) dst(%dma_wait3A_79 : memref<626x16xf32, #tpu.memory_space<vmem_shared>>)
    %barrier3A = arith.constant 0 : index
    tpu.barrier barrier_id(%barrier3A)
    %while3A = arith.constant 0 : i32
    %while3A_82 = arith.constant 0 : i32
    %while3A_83 = arith.subi %add3A_48, %while3A_82 : i32
    %while3A_84 = arith.addi %while3A_82, %while3A_83 : i32
    %while3A_85 = arith.constant 1 : i32
    %while3A_86 = arith.divsi %while3A_83, %while3A_85 : i32
    %while3A_87 = arith.muli %while3A_86, %while3A_85 : i32
    %while3A_88 = arith.addi %while3A_82, %while3A_87 : i32
    %while3A_89 = arith.constant 1 : i32
    scf.for %while3A_92 = %while3A_82 to %while3A_88 step %while3A_89  : i32 {
      %dma_start3A_93 = arith.constant 0 : i32
      %dma_start3A_94 = tpu.memref_slice %arg6[%while3A_92, %dma_start3A_93] : memref<40x256xi32, #tpu.memory_space<vmem>> -> memref<1x256xi32, #tpu.memory_space<vmem>>
      %dma_start3A_95 = tpu.memref_squeeze %dma_start3A_94 : memref<1x256xi32, #tpu.memory_space<vmem>> -> memref<256xi32, #tpu.memory_space<vmem>>
      %dma_start3A_96 = arith.constant 0 : i32
      %dma_start3A_97 = arith.constant 0 : i32
      %dma_start3A_98 = tpu.memref_slice %arg10[%dma_start3A_96, %dma_start3A_97] : memref<10016x16xf32, #tpu.memory_space<vmem_shared>> -> memref<10016x16xf32, #tpu.memory_space<vmem_shared>>
      tpu.enqueue_indirect_dma source(%dma_start3A_98 : memref<10016x16xf32, #tpu.memory_space<vmem_shared>>) target(%arg8 : memref<256x16xf32, #tpu.memory_space<vmem>>) offsets(%dma_start3A_95 : memref<256xi32, #tpu.memory_space<vmem>>) semaphore(%arg11 : memref<!tpu.dma_semaphore, #tpu.memory_space<semaphore_mem>>)
      %dma_wait3A_99 = arith.constant 0 : i32
      %dma_wait3A_100 = tpu.memref_slice %arg6[%while3A_92, %dma_wait3A_99] : memref<40x256xi32, #tpu.memory_space<vmem>> -> memref<1x256xi32, #tpu.memory_space<vmem>>
      %dma_wait3A_101 = tpu.memref_squeeze %dma_wait3A_100 : memref<1x256xi32, #tpu.memory_space<vmem>> -> memref<256xi32, #tpu.memory_space<vmem>>
      %dma_wait3A_102 = arith.constant 0 : i32
      %dma_wait3A_103 = arith.constant 0 : i32
      %dma_wait3A_104 = tpu.memref_slice %arg10[%dma_wait3A_102, %dma_wait3A_103] : memref<10016x16xf32, #tpu.memory_space<vmem_shared>> -> memref<10016x16xf32, #tpu.memory_space<vmem_shared>>
      tpu.wait_indirect_dma semaphore(%arg11 : memref<!tpu.dma_semaphore, #tpu.memory_space<semaphore_mem>>) src(%dma_wait3A_104 : memref<10016x16xf32, #tpu.memory_space<vmem_shared>>) dst(%arg8 : memref<256x16xf32, #tpu.memory_space<vmem>>)
      "tpu.region"() ({
        %run_scoped3A = tpu.sem_alloc : memref<!tpu.dma_semaphore, #tpu.memory_space<semaphore_mem>>
        %dma_start3A_105 = arith.constant 0 : i32
        %dma_start3A_106 = tpu.memref_slice %arg7[%while3A_92, %dma_start3A_105] : memref<40x256xi32, #tpu.memory_space<vmem>> -> memref<1x256xi32, #tpu.memory_space<vmem>>
        %dma_start3A_107 = tpu.memref_squeeze %dma_start3A_106 : memref<1x256xi32, #tpu.memory_space<vmem>> -> memref<256xi32, #tpu.memory_space<vmem>>
        %dma_start3A_108 = arith.constant 0 : i32
        %dma_start3A_109 = arith.constant 0 : i32
        %dma_start3A_110 = tpu.memref_slice %arg9[%dma_start3A_108, %dma_start3A_109] : memref<10112x16xf32, #tpu.memory_space<vmem_shared>> -> memref<10112x16xf32, #tpu.memory_space<vmem_shared>>
        tpu.enqueue_indirect_dma source(%arg8 : memref<256x16xf32, #tpu.memory_space<vmem>>) target(%dma_start3A_110 : memref<10112x16xf32, #tpu.memory_space<vmem_shared>>) offsets(%dma_start3A_107 : memref<256xi32, #tpu.memory_space<vmem>>) semaphore(%run_scoped3A : memref<!tpu.dma_semaphore, #tpu.memory_space<semaphore_mem>>) {add = true}
        %dma_wait3A_111 = arith.constant 0 : i32
        %dma_wait3A_112 = tpu.memref_slice %arg7[%while3A_92, %dma_wait3A_111] : memref<40x256xi32, #tpu.memory_space<vmem>> -> memref<1x256xi32, #tpu.memory_space<vmem>>
        %dma_wait3A_113 = tpu.memref_squeeze %dma_wait3A_112 : memref<1x256xi32, #tpu.memory_space<vmem>> -> memref<256xi32, #tpu.memory_space<vmem>>
        %dma_wait3A_114 = arith.constant 0 : i32
        %dma_wait3A_115 = arith.constant 0 : i32
        %dma_wait3A_116 = tpu.memref_slice %arg9[%dma_wait3A_114, %dma_wait3A_115] : memref<10112x16xf32, #tpu.memory_space<vmem_shared>> -> memref<10112x16xf32, #tpu.memory_space<vmem_shared>>
        tpu.wait_indirect_dma semaphore(%run_scoped3A : memref<!tpu.dma_semaphore, #tpu.memory_space<semaphore_mem>>) src(%arg8 : memref<256x16xf32, #tpu.memory_space<vmem>>) dst(%dma_wait3A_116 : memref<10112x16xf32, #tpu.memory_space<vmem_shared>>)
        tpu.yield
      }) : () -> ()
    }
    %while3A_90 = arith.constant 1 : i32
    scf.for %while3A_92 = %while3A_88 to %while3A_84 step %while3A_90  : i32 {
      %dma_start3A_93 = arith.constant 0 : i32
      %dma_start3A_94 = tpu.memref_slice %arg6[%while3A_92, %dma_start3A_93] : memref<40x256xi32, #tpu.memory_space<vmem>> -> memref<1x256xi32, #tpu.memory_space<vmem>>
      %dma_start3A_95 = tpu.memref_squeeze %dma_start3A_94 : memref<1x256xi32, #tpu.memory_space<vmem>> -> memref<256xi32, #tpu.memory_space<vmem>>
      %dma_start3A_96 = arith.constant 0 : i32
      %dma_start3A_97 = arith.constant 0 : i32
      %dma_start3A_98 = tpu.memref_slice %arg10[%dma_start3A_96, %dma_start3A_97] : memref<10016x16xf32, #tpu.memory_space<vmem_shared>> -> memref<10016x16xf32, #tpu.memory_space<vmem_shared>>
      tpu.enqueue_indirect_dma source(%dma_start3A_98 : memref<10016x16xf32, #tpu.memory_space<vmem_shared>>) target(%arg8 : memref<256x16xf32, #tpu.memory_space<vmem>>) offsets(%dma_start3A_95 : memref<256xi32, #tpu.memory_space<vmem>>) semaphore(%arg11 : memref<!tpu.dma_semaphore, #tpu.memory_space<semaphore_mem>>)
      %dma_wait3A_99 = arith.constant 0 : i32
      %dma_wait3A_100 = tpu.memref_slice %arg6[%while3A_92, %dma_wait3A_99] : memref<40x256xi32, #tpu.memory_space<vmem>> -> memref<1x256xi32, #tpu.memory_space<vmem>>
      %dma_wait3A_101 = tpu.memref_squeeze %dma_wait3A_100 : memref<1x256xi32, #tpu.memory_space<vmem>> -> memref<256xi32, #tpu.memory_space<vmem>>
      %dma_wait3A_102 = arith.constant 0 : i32
      %dma_wait3A_103 = arith.constant 0 : i32
      %dma_wait3A_104 = tpu.memref_slice %arg10[%dma_wait3A_102, %dma_wait3A_103] : memref<10016x16xf32, #tpu.memory_space<vmem_shared>> -> memref<10016x16xf32, #tpu.memory_space<vmem_shared>>
      tpu.wait_indirect_dma semaphore(%arg11 : memref<!tpu.dma_semaphore, #tpu.memory_space<semaphore_mem>>) src(%dma_wait3A_104 : memref<10016x16xf32, #tpu.memory_space<vmem_shared>>) dst(%arg8 : memref<256x16xf32, #tpu.memory_space<vmem>>)
      "tpu.region"() ({
        %run_scoped3A = tpu.sem_alloc : memref<!tpu.dma_semaphore, #tpu.memory_space<semaphore_mem>>
        %dma_start3A_105 = arith.constant 0 : i32
        %dma_start3A_106 = tpu.memref_slice %arg7[%while3A_92, %dma_start3A_105] : memref<40x256xi32, #tpu.memory_space<vmem>> -> memref<1x256xi32, #tpu.memory_space<vmem>>
        %dma_start3A_107 = tpu.memref_squeeze %dma_start3A_106 : memref<1x256xi32, #tpu.memory_space<vmem>> -> memref<256xi32, #tpu.memory_space<vmem>>
        %dma_start3A_108 = arith.constant 0 : i32
        %dma_start3A_109 = arith.constant 0 : i32
        %dma_start3A_110 = tpu.memref_slice %arg9[%dma_start3A_108, %dma_start3A_109] : memref<10112x16xf32, #tpu.memory_space<vmem_shared>> -> memref<10112x16xf32, #tpu.memory_space<vmem_shared>>
        tpu.enqueue_indirect_dma source(%arg8 : memref<256x16xf32, #tpu.memory_space<vmem>>) target(%dma_start3A_110 : memref<10112x16xf32, #tpu.memory_space<vmem_shared>>) offsets(%dma_start3A_107 : memref<256xi32, #tpu.memory_space<vmem>>) semaphore(%run_scoped3A : memref<!tpu.dma_semaphore, #tpu.memory_space<semaphore_mem>>) {add = true}
        %dma_wait3A_111 = arith.constant 0 : i32
        %dma_wait3A_112 = tpu.memref_slice %arg7[%while3A_92, %dma_wait3A_111] : memref<40x256xi32, #tpu.memory_space<vmem>> -> memref<1x256xi32, #tpu.memory_space<vmem>>
        %dma_wait3A_113 = tpu.memref_squeeze %dma_wait3A_112 : memref<1x256xi32, #tpu.memory_space<vmem>> -> memref<256xi32, #tpu.memory_space<vmem>>
        %dma_wait3A_114 = arith.constant 0 : i32
        %dma_wait3A_115 = arith.constant 0 : i32
        %dma_wait3A_116 = tpu.memref_slice %arg9[%dma_wait3A_114, %dma_wait3A_115] : memref<10112x16xf32, #tpu.memory_space<vmem_shared>> -> memref<10112x16xf32, #tpu.memory_space<vmem_shared>>
        tpu.wait_indirect_dma semaphore(%run_scoped3A : memref<!tpu.dma_semaphore, #tpu.memory_space<semaphore_mem>>) src(%arg8 : memref<256x16xf32, #tpu.memory_space<vmem>>) dst(%dma_wait3A_116 : memref<10112x16xf32, #tpu.memory_space<vmem_shared>>)
        tpu.yield
      }) : () -> ()
    }
    %barrier3A_91 = arith.constant 0 : index
    tpu.barrier barrier_id(%barrier3A_91)
    "tpu.region"() ({
      %run_scoped3A = tpu.sem_alloc : memref<!tpu.dma_semaphore, #tpu.memory_space<semaphore_mem>>
      %dma_start3A_92 = arith.constant 0 : i32
      %dma_start3A_93 = tpu.memref_slice %arg5[%arg0, %mul3A_2, %dma_start3A_92] : memref<2x10112x16xf32, #tpu.memory_space<hbm>> -> memref<1x632x16xf32, #tpu.memory_space<hbm>>
      %dma_start3A_94 = tpu.memref_squeeze %dma_start3A_93 : memref<1x632x16xf32, #tpu.memory_space<hbm>> -> memref<632x16xf32, #tpu.memory_space<hbm>>
      %dma_start3A_95 = arith.constant 0 : i32
      %dma_start3A_96 = tpu.memref_slice %arg9[%mul3A_2, %dma_start3A_95] : memref<10112x16xf32, #tpu.memory_space<vmem_shared>> -> memref<632x16xf32, #tpu.memory_space<vmem_shared>>
      tpu.enqueue_dma source(%dma_start3A_96 : memref<632x16xf32, #tpu.memory_space<vmem_shared>>) target(%dma_start3A_94 : memref<632x16xf32, #tpu.memory_space<hbm>>) target_semaphore(%run_scoped3A : memref<!tpu.dma_semaphore, #tpu.memory_space<semaphore_mem>>)
      %dma_wait3A_97 = arith.constant 0 : i32
      %dma_wait3A_98 = tpu.memref_slice %arg5[%arg0, %mul3A_2, %dma_wait3A_97] : memref<2x10112x16xf32, #tpu.memory_space<hbm>> -> memref<1x632x16xf32, #tpu.memory_space<hbm>>
      %dma_wait3A_99 = tpu.memref_squeeze %dma_wait3A_98 : memref<1x632x16xf32, #tpu.memory_space<hbm>> -> memref<632x16xf32, #tpu.memory_space<hbm>>
      %dma_wait3A_100 = arith.constant 0 : i32
      %dma_wait3A_101 = tpu.memref_slice %arg9[%mul3A_2, %dma_wait3A_100] : memref<10112x16xf32, #tpu.memory_space<vmem_shared>> -> memref<632x16xf32, #tpu.memory_space<vmem_shared>>
      tpu.wait_dma2 semaphore(%run_scoped3A : memref<!tpu.dma_semaphore, #tpu.memory_space<semaphore_mem>>) src(%dma_wait3A_101 : memref<632x16xf32, #tpu.memory_space<vmem_shared>>) dst(%dma_wait3A_99 : memref<632x16xf32, #tpu.memory_space<hbm>>)
      tpu.yield
    }) : () -> ()
    return
  }
}

#map = affine_map<(d0, d1) -> (0, 0)>
#map1 = affine_map<(d0, d1) -> (0, 0, 0)>
module attributes {stable_mosaic.version = 14 : i64} {
  func.func @body(%arg0: i32, %arg1: i32, %arg2: memref<10016x32xf32, #tpu.memory_space<hbm>>, %arg3: memref<2x1250x256xi32, #tpu.memory_space<hbm>>, %arg4: memref<10112x32xf32, #tpu.memory_space<hbm>>, %arg5: memref<2x10112x32xf32, #tpu.memory_space<hbm>>, %arg6: memref<40x256xi32, #tpu.memory_space<vmem>>, %arg7: memref<40x256xi32, #tpu.memory_space<vmem>>, %arg8: memref<256x32xf32, #tpu.memory_space<vmem>>, %arg9: memref<10112x32xf32, #tpu.memory_space<vmem_shared>>, %arg10: memref<10016x32xf32, #tpu.memory_space<vmem_shared>>, %arg11: memref<!tpu.dma_semaphore, #tpu.memory_space<semaphore_mem>>) attributes {dimension_semantics = [#tpu.dimension_semantics<core_parallel>, #tpu.dimension_semantics<subcore_parallel>], iteration_bounds = array<i64: 2, 16>, scalar_prefetch = 0 : i64, scratch_operands = 6 : i64, tpu.core_type = #tpu.core_type<sc_vector_subcore>, window_params = [{transform_indices = #map}, {transform_indices = #map1}, {transform_indices = #map}, {transform_indices = #map1}]} {
    %mul3A = arith.constant 2 : i32
    %mul3A_0 = arith.muli %arg1, %mul3A : i32
    %add3A = arith.addi %mul3A_0, %arg0 : i32
    %mul3A_1 = arith.constant 632 : i32
    %mul3A_2 = arith.muli %arg1, %mul3A_1 : i32
    %mul3A_3 = arith.constant 39 : i32
    %mul3A_4 = arith.muli %add3A, %mul3A_3 : i32
    %mul3A_5 = arith.constant 39 : i32
    %mul3A_6 = arith.muli %add3A, %mul3A_5 : i32
    %mul3A_7 = arith.constant 626 : i32
    %mul3A_8 = arith.muli %arg1, %mul3A_7 : i32
    %dma_start3A = arith.constant 0 : i32
    %dma_start3A_9 = tpu.memref_slice %arg9[%mul3A_2, %dma_start3A] : memref<10112x32xf32, #tpu.memory_space<vmem_shared>> -> memref<632x32xf32, #tpu.memory_space<vmem_shared>>
    %dma_start3A_10 = arith.constant 0 : i32
    %dma_start3A_11 = tpu.memref_slice %arg4[%mul3A_2, %dma_start3A_10] : memref<10112x32xf32, #tpu.memory_space<hbm>> -> memref<632x32xf32, #tpu.memory_space<hbm>>
    tpu.enqueue_dma source(%dma_start3A_11 : memref<632x32xf32, #tpu.memory_space<hbm>>) target(%dma_start3A_9 : memref<632x32xf32, #tpu.memory_space<vmem_shared>>) target_semaphore(%arg11 : memref<!tpu.dma_semaphore, #tpu.memory_space<semaphore_mem>>)
    %dma_start3A_12 = arith.constant 0 : i32
    %dma_start3A_13 = arith.constant 0 : i32
    %dma_start3A_14 = arith.constant 0 : i32
    %dma_start3A_15 = tpu.memref_slice %arg6[%dma_start3A_13, %dma_start3A_14] : memref<40x256xi32, #tpu.memory_space<vmem>> -> memref<39x256xi32, #tpu.memory_space<vmem>>
    %dma_start3A_16 = arith.constant 0 : i32
    %dma_start3A_17 = tpu.memref_slice %arg3[%dma_start3A_12, %mul3A_4, %dma_start3A_16] : memref<2x1250x256xi32, #tpu.memory_space<hbm>> -> memref<1x39x256xi32, #tpu.memory_space<hbm>>
    %dma_start3A_18 = tpu.memref_squeeze %dma_start3A_17 : memref<1x39x256xi32, #tpu.memory_space<hbm>> -> memref<39x256xi32, #tpu.memory_space<hbm>>
    %dma_start3A_19 = arith.constant 0 : i32
    %dma_start3A_20 = arith.constant 0 : i32
    %dma_start3A_21 = tpu.memref_slice %arg6[%dma_start3A_19, %dma_start3A_20] : memref<40x256xi32, #tpu.memory_space<vmem>> -> memref<39x256xi32, #tpu.memory_space<vmem>>
    %dma_start3A_22 = arith.constant 0 : i32
    %dma_start3A_23 = tpu.memref_slice %arg3[%dma_start3A_12, %mul3A_4, %dma_start3A_22] : memref<2x1250x256xi32, #tpu.memory_space<hbm>> -> memref<1x39x256xi32, #tpu.memory_space<hbm>>
    %dma_start3A_24 = tpu.memref_squeeze %dma_start3A_23 : memref<1x39x256xi32, #tpu.memory_space<hbm>> -> memref<39x256xi32, #tpu.memory_space<hbm>>
    tpu.enqueue_dma source(%dma_start3A_24 : memref<39x256xi32, #tpu.memory_space<hbm>>) target(%dma_start3A_21 : memref<39x256xi32, #tpu.memory_space<vmem>>) target_semaphore(%arg11 : memref<!tpu.dma_semaphore, #tpu.memory_space<semaphore_mem>>)
    %dma_start3A_25 = arith.constant 1 : i32
    %dma_start3A_26 = arith.constant 0 : i32
    %dma_start3A_27 = arith.constant 0 : i32
    %dma_start3A_28 = tpu.memref_slice %arg7[%dma_start3A_26, %dma_start3A_27] : memref<40x256xi32, #tpu.memory_space<vmem>> -> memref<39x256xi32, #tpu.memory_space<vmem>>
    %dma_start3A_29 = arith.constant 0 : i32
    %dma_start3A_30 = tpu.memref_slice %arg3[%dma_start3A_25, %mul3A_6, %dma_start3A_29] : memref<2x1250x256xi32, #tpu.memory_space<hbm>> -> memref<1x39x256xi32, #tpu.memory_space<hbm>>
    %dma_start3A_31 = tpu.memref_squeeze %dma_start3A_30 : memref<1x39x256xi32, #tpu.memory_space<hbm>> -> memref<39x256xi32, #tpu.memory_space<hbm>>
    %dma_start3A_32 = arith.constant 0 : i32
    %dma_start3A_33 = arith.constant 0 : i32
    %dma_start3A_34 = tpu.memref_slice %arg7[%dma_start3A_32, %dma_start3A_33] : memref<40x256xi32, #tpu.memory_space<vmem>> -> memref<39x256xi32, #tpu.memory_space<vmem>>
    %dma_start3A_35 = arith.constant 0 : i32
    %dma_start3A_36 = tpu.memref_slice %arg3[%dma_start3A_25, %mul3A_6, %dma_start3A_35] : memref<2x1250x256xi32, #tpu.memory_space<hbm>> -> memref<1x39x256xi32, #tpu.memory_space<hbm>>
    %dma_start3A_37 = tpu.memref_squeeze %dma_start3A_36 : memref<1x39x256xi32, #tpu.memory_space<hbm>> -> memref<39x256xi32, #tpu.memory_space<hbm>>
    tpu.enqueue_dma source(%dma_start3A_37 : memref<39x256xi32, #tpu.memory_space<hbm>>) target(%dma_start3A_34 : memref<39x256xi32, #tpu.memory_space<vmem>>) target_semaphore(%arg11 : memref<!tpu.dma_semaphore, #tpu.memory_space<semaphore_mem>>)
    %dma_start3A_38 = arith.constant 0 : i32
    %dma_start3A_39 = tpu.memref_slice %arg10[%mul3A_8, %dma_start3A_38] : memref<10016x32xf32, #tpu.memory_space<vmem_shared>> -> memref<626x32xf32, #tpu.memory_space<vmem_shared>>
    %dma_start3A_40 = arith.constant 0 : i32
    %dma_start3A_41 = tpu.memref_slice %arg2[%mul3A_8, %dma_start3A_40] : memref<10016x32xf32, #tpu.memory_space<hbm>> -> memref<626x32xf32, #tpu.memory_space<hbm>>
    tpu.enqueue_dma source(%dma_start3A_41 : memref<626x32xf32, #tpu.memory_space<hbm>>) target(%dma_start3A_39 : memref<626x32xf32, #tpu.memory_space<vmem_shared>>) target_semaphore(%arg11 : memref<!tpu.dma_semaphore, #tpu.memory_space<semaphore_mem>>)
    %lt3A = arith.constant 2 : i32
    %lt3A_42 = arith.cmpi slt, %add3A, %lt3A : i32
    %convert_element_type3A = arith.extui %lt3A_42 : i1 to i32
    %cond3A = arith.constant 0 : i32
    %cond3A_43 = arith.cmpi ne, %convert_element_type3A, %cond3A : i32
    scf.if %cond3A_43 {
      %add3A_92 = arith.constant 1248 : i32
      %add3A_93 = arith.addi %add3A_92, %add3A : i32
      %run_scoped3A = arith.constant 0 : i32
      %run_scoped3A_94 = arith.constant 39 : i32
      "tpu.region"() ({
        %run_scoped3A_99 = tpu.sem_alloc : memref<!tpu.dma_semaphore, #tpu.memory_space<semaphore_mem>>
        %dma_start3A_100 = arith.constant 0 : i32
        %dma_start3A_101 = tpu.memref_slice %arg6[%run_scoped3A_94, %dma_start3A_100] : memref<40x256xi32, #tpu.memory_space<vmem>> -> memref<1x256xi32, #tpu.memory_space<vmem>>
        %dma_start3A_102 = tpu.memref_squeeze %dma_start3A_101 : memref<1x256xi32, #tpu.memory_space<vmem>> -> memref<256xi32, #tpu.memory_space<vmem>>
        %dma_start3A_103 = arith.constant 0 : i32
        %dma_start3A_104 = tpu.memref_slice %arg3[%run_scoped3A, %add3A_93, %dma_start3A_103] : memref<2x1250x256xi32, #tpu.memory_space<hbm>> -> memref<1x1x256xi32, #tpu.memory_space<hbm>>
        %dma_start3A_105 = tpu.memref_squeeze %dma_start3A_104 : memref<1x1x256xi32, #tpu.memory_space<hbm>> -> memref<256xi32, #tpu.memory_space<hbm>>
        %dma_start3A_106 = arith.constant 0 : i32
        %dma_start3A_107 = tpu.memref_slice %arg6[%run_scoped3A_94, %dma_start3A_106] : memref<40x256xi32, #tpu.memory_space<vmem>> -> memref<1x256xi32, #tpu.memory_space<vmem>>
        %dma_start3A_108 = tpu.memref_squeeze %dma_start3A_107 : memref<1x256xi32, #tpu.memory_space<vmem>> -> memref<256xi32, #tpu.memory_space<vmem>>
        %dma_start3A_109 = arith.constant 0 : i32
        %dma_start3A_110 = tpu.memref_slice %arg3[%run_scoped3A, %add3A_93, %dma_start3A_109] : memref<2x1250x256xi32, #tpu.memory_space<hbm>> -> memref<1x1x256xi32, #tpu.memory_space<hbm>>
        %dma_start3A_111 = tpu.memref_squeeze %dma_start3A_110 : memref<1x1x256xi32, #tpu.memory_space<hbm>> -> memref<256xi32, #tpu.memory_space<hbm>>
        tpu.enqueue_dma source(%dma_start3A_111 : memref<256xi32, #tpu.memory_space<hbm>>) target(%dma_start3A_108 : memref<256xi32, #tpu.memory_space<vmem>>) target_semaphore(%run_scoped3A_99 : memref<!tpu.dma_semaphore, #tpu.memory_space<semaphore_mem>>)
        %dma_wait3A_112 = arith.constant 0 : i32
        %dma_wait3A_113 = tpu.memref_slice %arg6[%run_scoped3A_94, %dma_wait3A_112] : memref<40x256xi32, #tpu.memory_space<vmem>> -> memref<1x256xi32, #tpu.memory_space<vmem>>
        %dma_wait3A_114 = tpu.memref_squeeze %dma_wait3A_113 : memref<1x256xi32, #tpu.memory_space<vmem>> -> memref<256xi32, #tpu.memory_space<vmem>>
        %dma_wait3A_115 = arith.constant 0 : i32
        %dma_wait3A_116 = tpu.memref_slice %arg3[%run_scoped3A, %add3A_93, %dma_wait3A_115] : memref<2x1250x256xi32, #tpu.memory_space<hbm>> -> memref<1x1x256xi32, #tpu.memory_space<hbm>>
        %dma_wait3A_117 = tpu.memref_squeeze %dma_wait3A_116 : memref<1x1x256xi32, #tpu.memory_space<hbm>> -> memref<256xi32, #tpu.memory_space<hbm>>
        %dma_wait3A_118 = arith.constant 0 : i32
        %dma_wait3A_119 = tpu.memref_slice %arg6[%run_scoped3A_94, %dma_wait3A_118] : memref<40x256xi32, #tpu.memory_space<vmem>> -> memref<1x256xi32, #tpu.memory_space<vmem>>
        %dma_wait3A_120 = tpu.memref_squeeze %dma_wait3A_119 : memref<1x256xi32, #tpu.memory_space<vmem>> -> memref<256xi32, #tpu.memory_space<vmem>>
        %dma_wait3A_121 = arith.constant 0 : i32
        %dma_wait3A_122 = tpu.memref_slice %arg3[%run_scoped3A, %add3A_93, %dma_wait3A_121] : memref<2x1250x256xi32, #tpu.memory_space<hbm>> -> memref<1x1x256xi32, #tpu.memory_space<hbm>>
        %dma_wait3A_123 = tpu.memref_squeeze %dma_wait3A_122 : memref<1x1x256xi32, #tpu.memory_space<hbm>> -> memref<256xi32, #tpu.memory_space<hbm>>
        tpu.wait_dma2 semaphore(%run_scoped3A_99 : memref<!tpu.dma_semaphore, #tpu.memory_space<semaphore_mem>>) src(%dma_wait3A_123 : memref<256xi32, #tpu.memory_space<hbm>>) dst(%dma_wait3A_120 : memref<256xi32, #tpu.memory_space<vmem>>)
        tpu.yield
      }) : () -> ()
      %add3A_95 = arith.constant 1248 : i32
      %add3A_96 = arith.addi %add3A_95, %add3A : i32
      %run_scoped3A_97 = arith.constant 1 : i32
      %run_scoped3A_98 = arith.constant 39 : i32
      "tpu.region"() ({
        %run_scoped3A_99 = tpu.sem_alloc : memref<!tpu.dma_semaphore, #tpu.memory_space<semaphore_mem>>
        %dma_start3A_100 = arith.constant 0 : i32
        %dma_start3A_101 = tpu.memref_slice %arg7[%run_scoped3A_98, %dma_start3A_100] : memref<40x256xi32, #tpu.memory_space<vmem>> -> memref<1x256xi32, #tpu.memory_space<vmem>>
        %dma_start3A_102 = tpu.memref_squeeze %dma_start3A_101 : memref<1x256xi32, #tpu.memory_space<vmem>> -> memref<256xi32, #tpu.memory_space<vmem>>
        %dma_start3A_103 = arith.constant 0 : i32
        %dma_start3A_104 = tpu.memref_slice %arg3[%run_scoped3A_97, %add3A_96, %dma_start3A_103] : memref<2x1250x256xi32, #tpu.memory_space<hbm>> -> memref<1x1x256xi32, #tpu.memory_space<hbm>>
        %dma_start3A_105 = tpu.memref_squeeze %dma_start3A_104 : memref<1x1x256xi32, #tpu.memory_space<hbm>> -> memref<256xi32, #tpu.memory_space<hbm>>
        %dma_start3A_106 = arith.constant 0 : i32
        %dma_start3A_107 = tpu.memref_slice %arg7[%run_scoped3A_98, %dma_start3A_106] : memref<40x256xi32, #tpu.memory_space<vmem>> -> memref<1x256xi32, #tpu.memory_space<vmem>>
        %dma_start3A_108 = tpu.memref_squeeze %dma_start3A_107 : memref<1x256xi32, #tpu.memory_space<vmem>> -> memref<256xi32, #tpu.memory_space<vmem>>
        %dma_start3A_109 = arith.constant 0 : i32
        %dma_start3A_110 = tpu.memref_slice %arg3[%run_scoped3A_97, %add3A_96, %dma_start3A_109] : memref<2x1250x256xi32, #tpu.memory_space<hbm>> -> memref<1x1x256xi32, #tpu.memory_space<hbm>>
        %dma_start3A_111 = tpu.memref_squeeze %dma_start3A_110 : memref<1x1x256xi32, #tpu.memory_space<hbm>> -> memref<256xi32, #tpu.memory_space<hbm>>
        tpu.enqueue_dma source(%dma_start3A_111 : memref<256xi32, #tpu.memory_space<hbm>>) target(%dma_start3A_108 : memref<256xi32, #tpu.memory_space<vmem>>) target_semaphore(%run_scoped3A_99 : memref<!tpu.dma_semaphore, #tpu.memory_space<semaphore_mem>>)
        %dma_wait3A_112 = arith.constant 0 : i32
        %dma_wait3A_113 = tpu.memref_slice %arg7[%run_scoped3A_98, %dma_wait3A_112] : memref<40x256xi32, #tpu.memory_space<vmem>> -> memref<1x256xi32, #tpu.memory_space<vmem>>
        %dma_wait3A_114 = tpu.memref_squeeze %dma_wait3A_113 : memref<1x256xi32, #tpu.memory_space<vmem>> -> memref<256xi32, #tpu.memory_space<vmem>>
        %dma_wait3A_115 = arith.constant 0 : i32
        %dma_wait3A_116 = tpu.memref_slice %arg3[%run_scoped3A_97, %add3A_96, %dma_wait3A_115] : memref<2x1250x256xi32, #tpu.memory_space<hbm>> -> memref<1x1x256xi32, #tpu.memory_space<hbm>>
        %dma_wait3A_117 = tpu.memref_squeeze %dma_wait3A_116 : memref<1x1x256xi32, #tpu.memory_space<hbm>> -> memref<256xi32, #tpu.memory_space<hbm>>
        %dma_wait3A_118 = arith.constant 0 : i32
        %dma_wait3A_119 = tpu.memref_slice %arg7[%run_scoped3A_98, %dma_wait3A_118] : memref<40x256xi32, #tpu.memory_space<vmem>> -> memref<1x256xi32, #tpu.memory_space<vmem>>
        %dma_wait3A_120 = tpu.memref_squeeze %dma_wait3A_119 : memref<1x256xi32, #tpu.memory_space<vmem>> -> memref<256xi32, #tpu.memory_space<vmem>>
        %dma_wait3A_121 = arith.constant 0 : i32
        %dma_wait3A_122 = tpu.memref_slice %arg3[%run_scoped3A_97, %add3A_96, %dma_wait3A_121] : memref<2x1250x256xi32, #tpu.memory_space<hbm>> -> memref<1x1x256xi32, #tpu.memory_space<hbm>>
        %dma_wait3A_123 = tpu.memref_squeeze %dma_wait3A_122 : memref<1x1x256xi32, #tpu.memory_space<hbm>> -> memref<256xi32, #tpu.memory_space<hbm>>
        tpu.wait_dma2 semaphore(%run_scoped3A_99 : memref<!tpu.dma_semaphore, #tpu.memory_space<semaphore_mem>>) src(%dma_wait3A_123 : memref<256xi32, #tpu.memory_space<hbm>>) dst(%dma_wait3A_120 : memref<256xi32, #tpu.memory_space<vmem>>)
        tpu.yield
      }) : () -> ()
    } else {
    }
    %lt3A_44 = arith.constant 2 : i32
    %lt3A_45 = arith.cmpi slt, %add3A, %lt3A_44 : i32
    %jit3A = arith.constant 1 : i32
    %jit3A_46 = arith.constant 0 : i32
    %select_n3A = arith.select %lt3A_45, %jit3A, %jit3A_46 : i32
    %add3A_47 = arith.constant 39 : i32
    %add3A_48 = arith.addi %add3A_47, %select_n3A : i32
    %dma_wait3A = arith.constant 0 : i32
    %dma_wait3A_49 = tpu.memref_slice %arg9[%mul3A_2, %dma_wait3A] : memref<10112x32xf32, #tpu.memory_space<vmem_shared>> -> memref<632x32xf32, #tpu.memory_space<vmem_shared>>
    %dma_wait3A_50 = arith.constant 0 : i32
    %dma_wait3A_51 = tpu.memref_slice %arg4[%mul3A_2, %dma_wait3A_50] : memref<10112x32xf32, #tpu.memory_space<hbm>> -> memref<632x32xf32, #tpu.memory_space<hbm>>
    tpu.wait_dma2 semaphore(%arg11 : memref<!tpu.dma_semaphore, #tpu.memory_space<semaphore_mem>>) src(%dma_wait3A_51 : memref<632x32xf32, #tpu.memory_space<hbm>>) dst(%dma_wait3A_49 : memref<632x32xf32, #tpu.memory_space<vmem_shared>>)
    %dma_wait3A_52 = arith.constant 0 : i32
    %dma_wait3A_53 = arith.constant 0 : i32
    %dma_wait3A_54 = arith.constant 0 : i32
    %dma_wait3A_55 = tpu.memref_slice %arg6[%dma_wait3A_53, %dma_wait3A_54] : memref<40x256xi32, #tpu.memory_space<vmem>> -> memref<39x256xi32, #tpu.memory_space<vmem>>
    %dma_wait3A_56 = arith.constant 0 : i32
    %dma_wait3A_57 = tpu.memref_slice %arg3[%dma_wait3A_52, %mul3A_4, %dma_wait3A_56] : memref<2x1250x256xi32, #tpu.memory_space<hbm>> -> memref<1x39x256xi32, #tpu.memory_space<hbm>>
    %dma_wait3A_58 = tpu.memref_squeeze %dma_wait3A_57 : memref<1x39x256xi32, #tpu.memory_space<hbm>> -> memref<39x256xi32, #tpu.memory_space<hbm>>
    %dma_wait3A_59 = arith.constant 0 : i32
    %dma_wait3A_60 = arith.constant 0 : i32
    %dma_wait3A_61 = tpu.memref_slice %arg6[%dma_wait3A_59, %dma_wait3A_60] : memref<40x256xi32, #tpu.memory_space<vmem>> -> memref<39x256xi32, #tpu.memory_space<vmem>>
    %dma_wait3A_62 = arith.constant 0 : i32
    %dma_wait3A_63 = tpu.memref_slice %arg3[%dma_wait3A_52, %mul3A_4, %dma_wait3A_62] : memref<2x1250x256xi32, #tpu.memory_space<hbm>> -> memref<1x39x256xi32, #tpu.memory_space<hbm>>
    %dma_wait3A_64 = tpu.memref_squeeze %dma_wait3A_63 : memref<1x39x256xi32, #tpu.memory_space<hbm>> -> memref<39x256xi32, #tpu.memory_space<hbm>>
    tpu.wait_dma2 semaphore(%arg11 : memref<!tpu.dma_semaphore, #tpu.memory_space<semaphore_mem>>) src(%dma_wait3A_64 : memref<39x256xi32, #tpu.memory_space<hbm>>) dst(%dma_wait3A_61 : memref<39x256xi32, #tpu.memory_space<vmem>>)
    %dma_wait3A_65 = arith.constant 1 : i32
    %dma_wait3A_66 = arith.constant 0 : i32
    %dma_wait3A_67 = arith.constant 0 : i32
    %dma_wait3A_68 = tpu.memref_slice %arg7[%dma_wait3A_66, %dma_wait3A_67] : memref<40x256xi32, #tpu.memory_space<vmem>> -> memref<39x256xi32, #tpu.memory_space<vmem>>
    %dma_wait3A_69 = arith.constant 0 : i32
    %dma_wait3A_70 = tpu.memref_slice %arg3[%dma_wait3A_65, %mul3A_6, %dma_wait3A_69] : memref<2x1250x256xi32, #tpu.memory_space<hbm>> -> memref<1x39x256xi32, #tpu.memory_space<hbm>>
    %dma_wait3A_71 = tpu.memref_squeeze %dma_wait3A_70 : memref<1x39x256xi32, #tpu.memory_space<hbm>> -> memref<39x256xi32, #tpu.memory_space<hbm>>
    %dma_wait3A_72 = arith.constant 0 : i32
    %dma_wait3A_73 = arith.constant 0 : i32
    %dma_wait3A_74 = tpu.memref_slice %arg7[%dma_wait3A_72, %dma_wait3A_73] : memref<40x256xi32, #tpu.memory_space<vmem>> -> memref<39x256xi32, #tpu.memory_space<vmem>>
    %dma_wait3A_75 = arith.constant 0 : i32
    %dma_wait3A_76 = tpu.memref_slice %arg3[%dma_wait3A_65, %mul3A_6, %dma_wait3A_75] : memref<2x1250x256xi32, #tpu.memory_space<hbm>> -> memref<1x39x256xi32, #tpu.memory_space<hbm>>
    %dma_wait3A_77 = tpu.memref_squeeze %dma_wait3A_76 : memref<1x39x256xi32, #tpu.memory_space<hbm>> -> memref<39x256xi32, #tpu.memory_space<hbm>>
    tpu.wait_dma2 semaphore(%arg11 : memref<!tpu.dma_semaphore, #tpu.memory_space<semaphore_mem>>) src(%dma_wait3A_77 : memref<39x256xi32, #tpu.memory_space<hbm>>) dst(%dma_wait3A_74 : memref<39x256xi32, #tpu.memory_space<vmem>>)
    %dma_wait3A_78 = arith.constant 0 : i32
    %dma_wait3A_79 = tpu.memref_slice %arg10[%mul3A_8, %dma_wait3A_78] : memref<10016x32xf32, #tpu.memory_space<vmem_shared>> -> memref<626x32xf32, #tpu.memory_space<vmem_shared>>
    %dma_wait3A_80 = arith.constant 0 : i32
    %dma_wait3A_81 = tpu.memref_slice %arg2[%mul3A_8, %dma_wait3A_80] : memref<10016x32xf32, #tpu.memory_space<hbm>> -> memref<626x32xf32, #tpu.memory_space<hbm>>
    tpu.wait_dma2 semaphore(%arg11 : memref<!tpu.dma_semaphore, #tpu.memory_space<semaphore_mem>>) src(%dma_wait3A_81 : memref<626x32xf32, #tpu.memory_space<hbm>>) dst(%dma_wait3A_79 : memref<626x32xf32, #tpu.memory_space<vmem_shared>>)
    %barrier3A = arith.constant 0 : index
    tpu.barrier barrier_id(%barrier3A)
    %while3A = arith.constant 0 : i32
    %while3A_82 = arith.constant 0 : i32
    %while3A_83 = arith.subi %add3A_48, %while3A_82 : i32
    %while3A_84 = arith.addi %while3A_82, %while3A_83 : i32
    %while3A_85 = arith.constant 1 : i32
    %while3A_86 = arith.divsi %while3A_83, %while3A_85 : i32
    %while3A_87 = arith.muli %while3A_86, %while3A_85 : i32
    %while3A_88 = arith.addi %while3A_82, %while3A_87 : i32
    %while3A_89 = arith.constant 1 : i32
    scf.for %while3A_92 = %while3A_82 to %while3A_88 step %while3A_89  : i32 {
      %dma_start3A_93 = arith.constant 0 : i32
      %dma_start3A_94 = tpu.memref_slice %arg6[%while3A_92, %dma_start3A_93] : memref<40x256xi32, #tpu.memory_space<vmem>> -> memref<1x256xi32, #tpu.memory_space<vmem>>
      %dma_start3A_95 = tpu.memref_squeeze %dma_start3A_94 : memref<1x256xi32, #tpu.memory_space<vmem>> -> memref<256xi32, #tpu.memory_space<vmem>>
      %dma_start3A_96 = arith.constant 0 : i32
      %dma_start3A_97 = arith.constant 0 : i32
      %dma_start3A_98 = tpu.memref_slice %arg10[%dma_start3A_96, %dma_start3A_97] : memref<10016x32xf32, #tpu.memory_space<vmem_shared>> -> memref<10016x32xf32, #tpu.memory_space<vmem_shared>>
      tpu.enqueue_indirect_dma source(%dma_start3A_98 : memref<10016x32xf32, #tpu.memory_space<vmem_shared>>) target(%arg8 : memref<256x32xf32, #tpu.memory_space<vmem>>) offsets(%dma_start3A_95 : memref<256xi32, #tpu.memory_space<vmem>>) semaphore(%arg11 : memref<!tpu.dma_semaphore, #tpu.memory_space<semaphore_mem>>)
      %dma_wait3A_99 = arith.constant 0 : i32
      %dma_wait3A_100 = tpu.memref_slice %arg6[%while3A_92, %dma_wait3A_99] : memref<40x256xi32, #tpu.memory_space<vmem>> -> memref<1x256xi32, #tpu.memory_space<vmem>>
      %dma_wait3A_101 = tpu.memref_squeeze %dma_wait3A_100 : memref<1x256xi32, #tpu.memory_space<vmem>> -> memref<256xi32, #tpu.memory_space<vmem>>
      %dma_wait3A_102 = arith.constant 0 : i32
      %dma_wait3A_103 = arith.constant 0 : i32
      %dma_wait3A_104 = tpu.memref_slice %arg10[%dma_wait3A_102, %dma_wait3A_103] : memref<10016x32xf32, #tpu.memory_space<vmem_shared>> -> memref<10016x32xf32, #tpu.memory_space<vmem_shared>>
      tpu.wait_indirect_dma semaphore(%arg11 : memref<!tpu.dma_semaphore, #tpu.memory_space<semaphore_mem>>) src(%dma_wait3A_104 : memref<10016x32xf32, #tpu.memory_space<vmem_shared>>) dst(%arg8 : memref<256x32xf32, #tpu.memory_space<vmem>>)
      "tpu.region"() ({
        %run_scoped3A = tpu.sem_alloc : memref<!tpu.dma_semaphore, #tpu.memory_space<semaphore_mem>>
        %dma_start3A_105 = arith.constant 0 : i32
        %dma_start3A_106 = tpu.memref_slice %arg7[%while3A_92, %dma_start3A_105] : memref<40x256xi32, #tpu.memory_space<vmem>> -> memref<1x256xi32, #tpu.memory_space<vmem>>
        %dma_start3A_107 = tpu.memref_squeeze %dma_start3A_106 : memref<1x256xi32, #tpu.memory_space<vmem>> -> memref<256xi32, #tpu.memory_space<vmem>>
        %dma_start3A_108 = arith.constant 0 : i32
        %dma_start3A_109 = arith.constant 0 : i32
        %dma_start3A_110 = tpu.memref_slice %arg9[%dma_start3A_108, %dma_start3A_109] : memref<10112x32xf32, #tpu.memory_space<vmem_shared>> -> memref<10112x32xf32, #tpu.memory_space<vmem_shared>>
        tpu.enqueue_indirect_dma source(%arg8 : memref<256x32xf32, #tpu.memory_space<vmem>>) target(%dma_start3A_110 : memref<10112x32xf32, #tpu.memory_space<vmem_shared>>) offsets(%dma_start3A_107 : memref<256xi32, #tpu.memory_space<vmem>>) semaphore(%run_scoped3A : memref<!tpu.dma_semaphore, #tpu.memory_space<semaphore_mem>>) {add = true}
        %dma_wait3A_111 = arith.constant 0 : i32
        %dma_wait3A_112 = tpu.memref_slice %arg7[%while3A_92, %dma_wait3A_111] : memref<40x256xi32, #tpu.memory_space<vmem>> -> memref<1x256xi32, #tpu.memory_space<vmem>>
        %dma_wait3A_113 = tpu.memref_squeeze %dma_wait3A_112 : memref<1x256xi32, #tpu.memory_space<vmem>> -> memref<256xi32, #tpu.memory_space<vmem>>
        %dma_wait3A_114 = arith.constant 0 : i32
        %dma_wait3A_115 = arith.constant 0 : i32
        %dma_wait3A_116 = tpu.memref_slice %arg9[%dma_wait3A_114, %dma_wait3A_115] : memref<10112x32xf32, #tpu.memory_space<vmem_shared>> -> memref<10112x32xf32, #tpu.memory_space<vmem_shared>>
        tpu.wait_indirect_dma semaphore(%run_scoped3A : memref<!tpu.dma_semaphore, #tpu.memory_space<semaphore_mem>>) src(%arg8 : memref<256x32xf32, #tpu.memory_space<vmem>>) dst(%dma_wait3A_116 : memref<10112x32xf32, #tpu.memory_space<vmem_shared>>)
        tpu.yield
      }) : () -> ()
    }
    %while3A_90 = arith.constant 1 : i32
    scf.for %while3A_92 = %while3A_88 to %while3A_84 step %while3A_90  : i32 {
      %dma_start3A_93 = arith.constant 0 : i32
      %dma_start3A_94 = tpu.memref_slice %arg6[%while3A_92, %dma_start3A_93] : memref<40x256xi32, #tpu.memory_space<vmem>> -> memref<1x256xi32, #tpu.memory_space<vmem>>
      %dma_start3A_95 = tpu.memref_squeeze %dma_start3A_94 : memref<1x256xi32, #tpu.memory_space<vmem>> -> memref<256xi32, #tpu.memory_space<vmem>>
      %dma_start3A_96 = arith.constant 0 : i32
      %dma_start3A_97 = arith.constant 0 : i32
      %dma_start3A_98 = tpu.memref_slice %arg10[%dma_start3A_96, %dma_start3A_97] : memref<10016x32xf32, #tpu.memory_space<vmem_shared>> -> memref<10016x32xf32, #tpu.memory_space<vmem_shared>>
      tpu.enqueue_indirect_dma source(%dma_start3A_98 : memref<10016x32xf32, #tpu.memory_space<vmem_shared>>) target(%arg8 : memref<256x32xf32, #tpu.memory_space<vmem>>) offsets(%dma_start3A_95 : memref<256xi32, #tpu.memory_space<vmem>>) semaphore(%arg11 : memref<!tpu.dma_semaphore, #tpu.memory_space<semaphore_mem>>)
      %dma_wait3A_99 = arith.constant 0 : i32
      %dma_wait3A_100 = tpu.memref_slice %arg6[%while3A_92, %dma_wait3A_99] : memref<40x256xi32, #tpu.memory_space<vmem>> -> memref<1x256xi32, #tpu.memory_space<vmem>>
      %dma_wait3A_101 = tpu.memref_squeeze %dma_wait3A_100 : memref<1x256xi32, #tpu.memory_space<vmem>> -> memref<256xi32, #tpu.memory_space<vmem>>
      %dma_wait3A_102 = arith.constant 0 : i32
      %dma_wait3A_103 = arith.constant 0 : i32
      %dma_wait3A_104 = tpu.memref_slice %arg10[%dma_wait3A_102, %dma_wait3A_103] : memref<10016x32xf32, #tpu.memory_space<vmem_shared>> -> memref<10016x32xf32, #tpu.memory_space<vmem_shared>>
      tpu.wait_indirect_dma semaphore(%arg11 : memref<!tpu.dma_semaphore, #tpu.memory_space<semaphore_mem>>) src(%dma_wait3A_104 : memref<10016x32xf32, #tpu.memory_space<vmem_shared>>) dst(%arg8 : memref<256x32xf32, #tpu.memory_space<vmem>>)
      "tpu.region"() ({
        %run_scoped3A = tpu.sem_alloc : memref<!tpu.dma_semaphore, #tpu.memory_space<semaphore_mem>>
        %dma_start3A_105 = arith.constant 0 : i32
        %dma_start3A_106 = tpu.memref_slice %arg7[%while3A_92, %dma_start3A_105] : memref<40x256xi32, #tpu.memory_space<vmem>> -> memref<1x256xi32, #tpu.memory_space<vmem>>
        %dma_start3A_107 = tpu.memref_squeeze %dma_start3A_106 : memref<1x256xi32, #tpu.memory_space<vmem>> -> memref<256xi32, #tpu.memory_space<vmem>>
        %dma_start3A_108 = arith.constant 0 : i32
        %dma_start3A_109 = arith.constant 0 : i32
        %dma_start3A_110 = tpu.memref_slice %arg9[%dma_start3A_108, %dma_start3A_109] : memref<10112x32xf32, #tpu.memory_space<vmem_shared>> -> memref<10112x32xf32, #tpu.memory_space<vmem_shared>>
        tpu.enqueue_indirect_dma source(%arg8 : memref<256x32xf32, #tpu.memory_space<vmem>>) target(%dma_start3A_110 : memref<10112x32xf32, #tpu.memory_space<vmem_shared>>) offsets(%dma_start3A_107 : memref<256xi32, #tpu.memory_space<vmem>>) semaphore(%run_scoped3A : memref<!tpu.dma_semaphore, #tpu.memory_space<semaphore_mem>>) {add = true}
        %dma_wait3A_111 = arith.constant 0 : i32
        %dma_wait3A_112 = tpu.memref_slice %arg7[%while3A_92, %dma_wait3A_111] : memref<40x256xi32, #tpu.memory_space<vmem>> -> memref<1x256xi32, #tpu.memory_space<vmem>>
        %dma_wait3A_113 = tpu.memref_squeeze %dma_wait3A_112 : memref<1x256xi32, #tpu.memory_space<vmem>> -> memref<256xi32, #tpu.memory_space<vmem>>
        %dma_wait3A_114 = arith.constant 0 : i32
        %dma_wait3A_115 = arith.constant 0 : i32
        %dma_wait3A_116 = tpu.memref_slice %arg9[%dma_wait3A_114, %dma_wait3A_115] : memref<10112x32xf32, #tpu.memory_space<vmem_shared>> -> memref<10112x32xf32, #tpu.memory_space<vmem_shared>>
        tpu.wait_indirect_dma semaphore(%run_scoped3A : memref<!tpu.dma_semaphore, #tpu.memory_space<semaphore_mem>>) src(%arg8 : memref<256x32xf32, #tpu.memory_space<vmem>>) dst(%dma_wait3A_116 : memref<10112x32xf32, #tpu.memory_space<vmem_shared>>)
        tpu.yield
      }) : () -> ()
    }
    %barrier3A_91 = arith.constant 0 : index
    tpu.barrier barrier_id(%barrier3A_91)
    "tpu.region"() ({
      %run_scoped3A = tpu.sem_alloc : memref<!tpu.dma_semaphore, #tpu.memory_space<semaphore_mem>>
      %dma_start3A_92 = arith.constant 0 : i32
      %dma_start3A_93 = tpu.memref_slice %arg5[%arg0, %mul3A_2, %dma_start3A_92] : memref<2x10112x32xf32, #tpu.memory_space<hbm>> -> memref<1x632x32xf32, #tpu.memory_space<hbm>>
      %dma_start3A_94 = tpu.memref_squeeze %dma_start3A_93 : memref<1x632x32xf32, #tpu.memory_space<hbm>> -> memref<632x32xf32, #tpu.memory_space<hbm>>
      %dma_start3A_95 = arith.constant 0 : i32
      %dma_start3A_96 = tpu.memref_slice %arg9[%mul3A_2, %dma_start3A_95] : memref<10112x32xf32, #tpu.memory_space<vmem_shared>> -> memref<632x32xf32, #tpu.memory_space<vmem_shared>>
      tpu.enqueue_dma source(%dma_start3A_96 : memref<632x32xf32, #tpu.memory_space<vmem_shared>>) target(%dma_start3A_94 : memref<632x32xf32, #tpu.memory_space<hbm>>) target_semaphore(%run_scoped3A : memref<!tpu.dma_semaphore, #tpu.memory_space<semaphore_mem>>)
      %dma_wait3A_97 = arith.constant 0 : i32
      %dma_wait3A_98 = tpu.memref_slice %arg5[%arg0, %mul3A_2, %dma_wait3A_97] : memref<2x10112x32xf32, #tpu.memory_space<hbm>> -> memref<1x632x32xf32, #tpu.memory_space<hbm>>
      %dma_wait3A_99 = tpu.memref_squeeze %dma_wait3A_98 : memref<1x632x32xf32, #tpu.memory_space<hbm>> -> memref<632x32xf32, #tpu.memory_space<hbm>>
      %dma_wait3A_100 = arith.constant 0 : i32
      %dma_wait3A_101 = tpu.memref_slice %arg9[%mul3A_2, %dma_wait3A_100] : memref<10112x32xf32, #tpu.memory_space<vmem_shared>> -> memref<632x32xf32, #tpu.memory_space<vmem_shared>>
      tpu.wait_dma2 semaphore(%run_scoped3A : memref<!tpu.dma_semaphore, #tpu.memory_space<semaphore_mem>>) src(%dma_wait3A_101 : memref<632x32xf32, #tpu.memory_space<vmem_shared>>) dst(%dma_wait3A_99 : memref<632x32xf32, #tpu.memory_space<hbm>>)
      tpu.yield
    }) : () -> ()
    return
  }
}

module attributes {stable_mosaic.version = 14 : i64} {
  func.func @_tc0_body(%arg0: memref<10000x128xf32, #tpu.memory_space<vmem>>, %arg1: memref<128x64xf32, #tpu.memory_space<vmem>>, %arg2: memref<10016x64xf32, #tpu.memory_space<vmem>>) attributes {dimension_semantics = [], scalar_prefetch = 0 : i64, scratch_operands = 0 : i64, tpu.core_type = #tpu.core_type<tc>} {
    %get3A = arith.constant 0 : index
    %get3A_0 = arith.constant 0 : index
    %get3A_1 = vector.load %arg0[%get3A, %get3A_0] : memref<10000x128xf32, #tpu.memory_space<vmem>>, vector<10000x128xf32>
    %get3A_2 = arith.constant 0 : index
    %get3A_3 = arith.constant 0 : index
    %get3A_4 = vector.load %arg1[%get3A_2, %get3A_3] : memref<128x64xf32, #tpu.memory_space<vmem>>, vector<128x64xf32>
    %dot_general3A = arith.constant dense<0.000000e+00> : vector<10000x64xf32>
    %dot_general3A_5 = tpu.matmul %get3A_1, %get3A_4, %dot_general3A {dimension_numbers = #tpu.dot_dimension_numbers<[1], [0], [0], [1], [0, 0, 1, 1], [], []>, transpose_lhs_hint = false} : vector<10000x128xf32>, vector<128x64xf32>, vector<10000x64xf32> -> vector<10000x64xf32>
    %broadcast_in_dim3A = arith.constant 0.000000e+00 : f32
    %broadcast_in_dim3A_6 = vector.broadcast %broadcast_in_dim3A : f32 to vector<16x64xf32>
    %concatenate3A = tpu.concatenate %dot_general3A_5, %broadcast_in_dim3A_6 in 0 : vector<10000x64xf32>, vector<16x64xf32> -> vector<10016x64xf32>
    %swap3A = arith.constant 0 : index
    %swap3A_7 = arith.constant 0 : index
    %swap3A_8 = vector.load %arg2[%swap3A, %swap3A_7] : memref<10016x64xf32, #tpu.memory_space<vmem>>, vector<10016x64xf32>
    tpu.vector_store %arg2[%swap3A, %swap3A_7], %concatenate3A {strides = array<i32>} : memref<10016x64xf32, #tpu.memory_space<vmem>>, vector<10016x64xf32>,
    return
  }
}

module attributes {stable_mosaic.version = 14 : i64} {
  func.func @_tcr_body(%arg0: memref<10000x128xf32, #tpu.memory_space<vmem>>, %arg1: memref<128x64xf32, #tpu.memory_space<vmem>>, %arg2: memref<1x64xf32, #tpu.memory_space<vmem>>, %arg3: memref<10000x64xf32, #tpu.memory_space<vmem>>) attributes {dimension_semantics = [], scalar_prefetch = 0 : i64, scratch_operands = 0 : i64, tpu.core_type = #tpu.core_type<tc>} {
    %get3A = arith.constant 0 : index
    %get3A_0 = arith.constant 0 : index
    %get3A_1 = vector.load %arg0[%get3A, %get3A_0] : memref<10000x128xf32, #tpu.memory_space<vmem>>, vector<10000x128xf32>
    %get3A_2 = arith.constant 0 : index
    %get3A_3 = arith.constant 0 : index
    %get3A_4 = vector.load %arg1[%get3A_2, %get3A_3] : memref<128x64xf32, #tpu.memory_space<vmem>>, vector<128x64xf32>
    %dot_general3A = arith.constant dense<0.000000e+00> : vector<10000x64xf32>
    %dot_general3A_5 = tpu.matmul %get3A_1, %get3A_4, %dot_general3A {dimension_numbers = #tpu.dot_dimension_numbers<[1], [0], [0], [1], [0, 0, 1, 1], [], []>, transpose_lhs_hint = false} : vector<10000x128xf32>, vector<128x64xf32>, vector<10000x64xf32> -> vector<10000x64xf32>
    %get3A_6 = arith.constant 0 : index
    %get3A_7 = arith.constant 0 : index
    %get3A_8 = vector.load %arg2[%get3A_6, %get3A_7] : memref<1x64xf32, #tpu.memory_space<vmem>>, vector<1x64xf32>
    %add3A = vector.broadcast %get3A_8 : vector<1x64xf32> to vector<10000x64xf32>
    %add3A_9 = arith.addf %dot_general3A_5, %add3A : vector<10000x64xf32>
    %swap3A = arith.constant 0 : index
    %swap3A_10 = arith.constant 0 : index
    %swap3A_11 = vector.load %arg3[%swap3A, %swap3A_10] : memref<10000x64xf32, #tpu.memory_space<vmem>>, vector<10000x64xf32>
    tpu.vector_store %arg3[%swap3A, %swap3A_10], %add3A_9 {strides = array<i32>} : memref<10000x64xf32, #tpu.memory_space<vmem>>, vector<10000x64xf32>,
    return
  }
}

module attributes {stable_mosaic.version = 14 : i64} {
  func.func @_tc1_body(%arg0: memref<2x10112x64xf32, #tpu.memory_space<vmem>>, %arg1: memref<32x10016xf32, #tpu.memory_space<vmem>>, %arg2: memref<10000x64xf32, #tpu.memory_space<vmem>>, %arg3: memref<64x32xf32, #tpu.memory_space<vmem>>, %arg4: memref<64x32xf32, #tpu.memory_space<vmem>>, %arg5: memref<1x32xf32, #tpu.memory_space<vmem>>, %arg6: memref<10016x32xf32, #tpu.memory_space<vmem>>, %arg7: memref<10000x32xf32, #tpu.memory_space<vmem>>, %arg8: memref<10000x1xf32, #tpu.memory_space<vmem>>) attributes {dimension_semantics = [], scalar_prefetch = 0 : i64, scratch_operands = 0 : i64, tpu.core_type = #tpu.core_type<tc>} {
    %get3A = arith.constant 0 : index
    %get3A_0 = arith.constant 0 : index
    %get3A_1 = arith.constant 0 : index
    %get3A_2 = vector.load %arg0[%get3A, %get3A_0, %get3A_1] : memref<2x10112x64xf32, #tpu.memory_space<vmem>>, vector<1x10000x64xf32>
    %get3A_3 = vector.shape_cast %get3A_2 : vector<1x10000x64xf32> to vector<10000x64xf32>
    %get3A_4 = arith.constant 1 : index
    %get3A_5 = arith.constant 0 : index
    %get3A_6 = arith.constant 0 : index
    %get3A_7 = vector.load %arg0[%get3A_4, %get3A_5, %get3A_6] : memref<2x10112x64xf32, #tpu.memory_space<vmem>>, vector<1x10000x64xf32>
    %get3A_8 = vector.shape_cast %get3A_7 : vector<1x10000x64xf32> to vector<10000x64xf32>
    %add3A = arith.addf %get3A_3, %get3A_8 : vector<10000x64xf32>
    %get3A_9 = arith.constant 0 : index
    %get3A_10 = arith.constant 0 : index
    %get3A_11 = vector.load %arg1[%get3A_9, %get3A_10] : memref<32x10016xf32, #tpu.memory_space<vmem>>, vector<32x10016xf32>
    %broadcast_in_dim3A = arith.constant 1.000000e+00 : f32
    %broadcast_in_dim3A_12 = vector.broadcast %broadcast_in_dim3A : f32 to vector<32x1xf32>
    %dot_general3A = arith.constant dense<0.000000e+00> : vector<10016x1xf32>
    %dot_general3A_13 = tpu.matmul %get3A_11, %broadcast_in_dim3A_12, %dot_general3A {dimension_numbers = #tpu.dot_dimension_numbers<[0], [0], [1], [1], [0, 1, 1, 1], [], []>, transpose_lhs_hint = false} : vector<32x10016xf32>, vector<32x1xf32>, vector<10016x1xf32> -> vector<10016x1xf32>
    %slice3A = vector.extract_strided_slice %dot_general3A_13 {offsets = [0, 0], sizes = [10000, 1], strides = [1, 1]} : vector<10016x1xf32> to vector<10000x1xf32>
    %max3A = arith.constant 1.000000e+00 : f32
    %max3A_14 = vector.broadcast %max3A : f32 to vector<10000x1xf32>
    %max3A_15 = arith.maximumf %slice3A, %max3A_14 : vector<10000x1xf32>
    %div3A = vector.broadcast %max3A_15 : vector<10000x1xf32> to vector<10000x64xf32>
    %div3A_16 = arith.divf %add3A, %div3A : vector<10000x64xf32>
    %get3A_17 = arith.constant 0 : index
    %get3A_18 = arith.constant 0 : index
    %get3A_19 = vector.load %arg2[%get3A_17, %get3A_18] : memref<10000x64xf32, #tpu.memory_space<vmem>>, vector<10000x64xf32>
    %add3A_20 = arith.addf %div3A_16, %get3A_19 : vector<10000x64xf32>
    %max3A_21 = arith.constant 0.000000e+00 : f32
    %max3A_22 = vector.broadcast %max3A_21 : f32 to vector<10000x64xf32>
    %max3A_23 = arith.maximumf %add3A_20, %max3A_22 : vector<10000x64xf32>
    %get3A_24 = arith.constant 0 : index
    %get3A_25 = arith.constant 0 : index
    %get3A_26 = vector.load %arg3[%get3A_24, %get3A_25] : memref<64x32xf32, #tpu.memory_space<vmem>>, vector<64x32xf32>
    %dot_general3A_27 = arith.constant dense<0.000000e+00> : vector<10000x32xf32>
    %dot_general3A_28 = tpu.matmul %max3A_23, %get3A_26, %dot_general3A_27 {dimension_numbers = #tpu.dot_dimension_numbers<[1], [0], [0], [1], [0, 0, 1, 1], [], []>, transpose_lhs_hint = false} : vector<10000x64xf32>, vector<64x32xf32>, vector<10000x32xf32> -> vector<10000x32xf32>
    %broadcast_in_dim3A_29 = arith.constant 0.000000e+00 : f32
    %broadcast_in_dim3A_30 = vector.broadcast %broadcast_in_dim3A_29 : f32 to vector<16x32xf32>
    %concatenate3A = tpu.concatenate %dot_general3A_28, %broadcast_in_dim3A_30 in 0 : vector<10000x32xf32>, vector<16x32xf32> -> vector<10016x32xf32>
    %swap3A = arith.constant 0 : index
    %swap3A_31 = arith.constant 0 : index
    %swap3A_32 = vector.load %arg6[%swap3A, %swap3A_31] : memref<10016x32xf32, #tpu.memory_space<vmem>>, vector<10016x32xf32>
    tpu.vector_store %arg6[%swap3A, %swap3A_31], %concatenate3A {strides = array<i32>} : memref<10016x32xf32, #tpu.memory_space<vmem>>, vector<10016x32xf32>,
    %get3A_33 = arith.constant 0 : index
    %get3A_34 = arith.constant 0 : index
    %get3A_35 = vector.load %arg4[%get3A_33, %get3A_34] : memref<64x32xf32, #tpu.memory_space<vmem>>, vector<64x32xf32>
    %dot_general3A_36 = arith.constant dense<0.000000e+00> : vector<10000x32xf32>
    %dot_general3A_37 = tpu.matmul %max3A_23, %get3A_35, %dot_general3A_36 {dimension_numbers = #tpu.dot_dimension_numbers<[1], [0], [0], [1], [0, 0, 1, 1], [], []>, transpose_lhs_hint = false} : vector<10000x64xf32>, vector<64x32xf32>, vector<10000x32xf32> -> vector<10000x32xf32>
    %get3A_38 = arith.constant 0 : index
    %get3A_39 = arith.constant 0 : index
    %get3A_40 = vector.load %arg5[%get3A_38, %get3A_39] : memref<1x32xf32, #tpu.memory_space<vmem>>, vector<1x32xf32>
    %add3A_41 = vector.broadcast %get3A_40 : vector<1x32xf32> to vector<10000x32xf32>
    %add3A_42 = arith.addf %dot_general3A_37, %add3A_41 : vector<10000x32xf32>
    %swap3A_43 = arith.constant 0 : index
    %swap3A_44 = arith.constant 0 : index
    %swap3A_45 = vector.load %arg7[%swap3A_43, %swap3A_44] : memref<10000x32xf32, #tpu.memory_space<vmem>>, vector<10000x32xf32>
    tpu.vector_store %arg7[%swap3A_43, %swap3A_44], %add3A_42 {strides = array<i32>} : memref<10000x32xf32, #tpu.memory_space<vmem>>, vector<10000x32xf32>,
    %swap3A_46 = arith.constant 0 : index
    %swap3A_47 = arith.constant 0 : index
    %swap3A_48 = vector.load %arg8[%swap3A_46, %swap3A_47] : memref<10000x1xf32, #tpu.memory_space<vmem>>, vector<10000x1xf32>
    tpu.vector_store %arg8[%swap3A_46, %swap3A_47], %max3A_15 {strides = array<i32>} : memref<10000x1xf32, #tpu.memory_space<vmem>>, vector<10000x1xf32>,
    return
  }
}

module attributes {stable_mosaic.version = 14 : i64} {
  func.func @_tc2_body(%arg0: memref<2x10112x32xf32, #tpu.memory_space<vmem>>, %arg1: memref<10000x32xf32, #tpu.memory_space<vmem>>, %arg2: memref<10000x1xf32, #tpu.memory_space<vmem>>, %arg3: memref<32x16xf32, #tpu.memory_space<vmem>>, %arg4: memref<32x16xf32, #tpu.memory_space<vmem>>, %arg5: memref<1x16xf32, #tpu.memory_space<vmem>>, %arg6: memref<10016x16xf32, #tpu.memory_space<vmem>>, %arg7: memref<10000x16xf32, #tpu.memory_space<vmem>>) attributes {dimension_semantics = [], scalar_prefetch = 0 : i64, scratch_operands = 0 : i64, tpu.core_type = #tpu.core_type<tc>} {
    %get3A = arith.constant 0 : index
    %get3A_0 = arith.constant 0 : index
    %get3A_1 = arith.constant 0 : index
    %get3A_2 = vector.load %arg0[%get3A, %get3A_0, %get3A_1] : memref<2x10112x32xf32, #tpu.memory_space<vmem>>, vector<1x10000x32xf32>
    %get3A_3 = vector.shape_cast %get3A_2 : vector<1x10000x32xf32> to vector<10000x32xf32>
    %get3A_4 = arith.constant 1 : index
    %get3A_5 = arith.constant 0 : index
    %get3A_6 = arith.constant 0 : index
    %get3A_7 = vector.load %arg0[%get3A_4, %get3A_5, %get3A_6] : memref<2x10112x32xf32, #tpu.memory_space<vmem>>, vector<1x10000x32xf32>
    %get3A_8 = vector.shape_cast %get3A_7 : vector<1x10000x32xf32> to vector<10000x32xf32>
    %add3A = arith.addf %get3A_3, %get3A_8 : vector<10000x32xf32>
    %get3A_9 = arith.constant 0 : index
    %get3A_10 = arith.constant 0 : index
    %get3A_11 = vector.load %arg2[%get3A_9, %get3A_10] : memref<10000x1xf32, #tpu.memory_space<vmem>>, vector<10000x1xf32>
    %div3A = vector.broadcast %get3A_11 : vector<10000x1xf32> to vector<10000x32xf32>
    %div3A_12 = arith.divf %add3A, %div3A : vector<10000x32xf32>
    %get3A_13 = arith.constant 0 : index
    %get3A_14 = arith.constant 0 : index
    %get3A_15 = vector.load %arg1[%get3A_13, %get3A_14] : memref<10000x32xf32, #tpu.memory_space<vmem>>, vector<10000x32xf32>
    %add3A_16 = arith.addf %div3A_12, %get3A_15 : vector<10000x32xf32>
    %max3A = arith.constant 0.000000e+00 : f32
    %max3A_17 = vector.broadcast %max3A : f32 to vector<10000x32xf32>
    %max3A_18 = arith.maximumf %add3A_16, %max3A_17 : vector<10000x32xf32>
    %get3A_19 = arith.constant 0 : index
    %get3A_20 = arith.constant 0 : index
    %get3A_21 = vector.load %arg3[%get3A_19, %get3A_20] : memref<32x16xf32, #tpu.memory_space<vmem>>, vector<32x16xf32>
    %dot_general3A = arith.constant dense<0.000000e+00> : vector<10000x16xf32>
    %dot_general3A_22 = tpu.matmul %max3A_18, %get3A_21, %dot_general3A {dimension_numbers = #tpu.dot_dimension_numbers<[1], [0], [0], [1], [0, 0, 1, 1], [], []>, transpose_lhs_hint = false} : vector<10000x32xf32>, vector<32x16xf32>, vector<10000x16xf32> -> vector<10000x16xf32>
    %broadcast_in_dim3A = arith.constant 0.000000e+00 : f32
    %broadcast_in_dim3A_23 = vector.broadcast %broadcast_in_dim3A : f32 to vector<16x16xf32>
    %concatenate3A = tpu.concatenate %dot_general3A_22, %broadcast_in_dim3A_23 in 0 : vector<10000x16xf32>, vector<16x16xf32> -> vector<10016x16xf32>
    %swap3A = arith.constant 0 : index
    %swap3A_24 = arith.constant 0 : index
    %swap3A_25 = vector.load %arg6[%swap3A, %swap3A_24] : memref<10016x16xf32, #tpu.memory_space<vmem>>, vector<10016x16xf32>
    tpu.vector_store %arg6[%swap3A, %swap3A_24], %concatenate3A {strides = array<i32>} : memref<10016x16xf32, #tpu.memory_space<vmem>>, vector<10016x16xf32>,
    %get3A_26 = arith.constant 0 : index
    %get3A_27 = arith.constant 0 : index
    %get3A_28 = vector.load %arg4[%get3A_26, %get3A_27] : memref<32x16xf32, #tpu.memory_space<vmem>>, vector<32x16xf32>
    %dot_general3A_29 = arith.constant dense<0.000000e+00> : vector<10000x16xf32>
    %dot_general3A_30 = tpu.matmul %max3A_18, %get3A_28, %dot_general3A_29 {dimension_numbers = #tpu.dot_dimension_numbers<[1], [0], [0], [1], [0, 0, 1, 1], [], []>, transpose_lhs_hint = false} : vector<10000x32xf32>, vector<32x16xf32>, vector<10000x16xf32> -> vector<10000x16xf32>
    %get3A_31 = arith.constant 0 : index
    %get3A_32 = arith.constant 0 : index
    %get3A_33 = vector.load %arg5[%get3A_31, %get3A_32] : memref<1x16xf32, #tpu.memory_space<vmem>>, vector<1x16xf32>
    %add3A_34 = vector.broadcast %get3A_33 : vector<1x16xf32> to vector<10000x16xf32>
    %add3A_35 = arith.addf %dot_general3A_30, %add3A_34 : vector<10000x16xf32>
    %swap3A_36 = arith.constant 0 : index
    %swap3A_37 = arith.constant 0 : index
    %swap3A_38 = vector.load %arg7[%swap3A_36, %swap3A_37] : memref<10000x16xf32, #tpu.memory_space<vmem>>, vector<10000x16xf32>
    tpu.vector_store %arg7[%swap3A_36, %swap3A_37], %add3A_35 {strides = array<i32>} : memref<10000x16xf32, #tpu.memory_space<vmem>>, vector<10000x16xf32>,
    return
  }
}

module attributes {stable_mosaic.version = 14 : i64} {
  func.func @_tc3_body(%arg0: memref<2x10112x16xf32, #tpu.memory_space<vmem>>, %arg1: memref<10000x16xf32, #tpu.memory_space<vmem>>, %arg2: memref<10000x1xf32, #tpu.memory_space<vmem>>, %arg3: memref<16x2xf32, #tpu.memory_space<vmem>>, %arg4: memref<2x1xf32, #tpu.memory_space<vmem>>, %arg5: memref<2x10000xf32, #tpu.memory_space<vmem>>) attributes {dimension_semantics = [], scalar_prefetch = 0 : i64, scratch_operands = 0 : i64, tpu.core_type = #tpu.core_type<tc>} {
    %get3A = arith.constant 0 : index
    %get3A_0 = arith.constant 0 : index
    %get3A_1 = arith.constant 0 : index
    %get3A_2 = vector.load %arg0[%get3A, %get3A_0, %get3A_1] : memref<2x10112x16xf32, #tpu.memory_space<vmem>>, vector<1x10000x16xf32>
    %get3A_3 = vector.shape_cast %get3A_2 : vector<1x10000x16xf32> to vector<10000x16xf32>
    %get3A_4 = arith.constant 1 : index
    %get3A_5 = arith.constant 0 : index
    %get3A_6 = arith.constant 0 : index
    %get3A_7 = vector.load %arg0[%get3A_4, %get3A_5, %get3A_6] : memref<2x10112x16xf32, #tpu.memory_space<vmem>>, vector<1x10000x16xf32>
    %get3A_8 = vector.shape_cast %get3A_7 : vector<1x10000x16xf32> to vector<10000x16xf32>
    %add3A = arith.addf %get3A_3, %get3A_8 : vector<10000x16xf32>
    %get3A_9 = arith.constant 0 : index
    %get3A_10 = arith.constant 0 : index
    %get3A_11 = vector.load %arg2[%get3A_9, %get3A_10] : memref<10000x1xf32, #tpu.memory_space<vmem>>, vector<10000x1xf32>
    %div3A = vector.broadcast %get3A_11 : vector<10000x1xf32> to vector<10000x16xf32>
    %div3A_12 = arith.divf %add3A, %div3A : vector<10000x16xf32>
    %get3A_13 = arith.constant 0 : index
    %get3A_14 = arith.constant 0 : index
    %get3A_15 = vector.load %arg1[%get3A_13, %get3A_14] : memref<10000x16xf32, #tpu.memory_space<vmem>>, vector<10000x16xf32>
    %add3A_16 = arith.addf %div3A_12, %get3A_15 : vector<10000x16xf32>
    %max3A = arith.constant 0.000000e+00 : f32
    %max3A_17 = vector.broadcast %max3A : f32 to vector<10000x16xf32>
    %max3A_18 = arith.maximumf %add3A_16, %max3A_17 : vector<10000x16xf32>
    %get3A_19 = arith.constant 0 : index
    %get3A_20 = arith.constant 0 : index
    %get3A_21 = vector.load %arg3[%get3A_19, %get3A_20] : memref<16x2xf32, #tpu.memory_space<vmem>>, vector<16x2xf32>
    %dot_general3A = arith.constant dense<0.000000e+00> : vector<2x10000xf32>
    %dot_general3A_22 = tpu.matmul %get3A_21, %max3A_18, %dot_general3A {dimension_numbers = #tpu.dot_dimension_numbers<[0], [1], [1], [0], [0, 1, 1, 0], [], []>, transpose_lhs_hint = false} : vector<16x2xf32>, vector<10000x16xf32>, vector<2x10000xf32> -> vector<2x10000xf32>
    %get3A_23 = arith.constant 0 : index
    %get3A_24 = arith.constant 0 : index
    %get3A_25 = vector.load %arg4[%get3A_23, %get3A_24] : memref<2x1xf32, #tpu.memory_space<vmem>>, vector<2x1xf32>
    %add3A_26 = vector.broadcast %get3A_25 : vector<2x1xf32> to vector<2x10000xf32>
    %add3A_27 = arith.addf %dot_general3A_22, %add3A_26 : vector<2x10000xf32>
    %swap3A = arith.constant 0 : index
    %swap3A_28 = arith.constant 0 : index
    %swap3A_29 = vector.load %arg5[%swap3A, %swap3A_28] : memref<2x10000xf32, #tpu.memory_space<vmem>>, vector<2x10000xf32>
    tpu.vector_store %arg5[%swap3A, %swap3A_28], %add3A_27 {strides = array<i32>} : memref<2x10000xf32, #tpu.memory_space<vmem>>, vector<2x10000xf32>,
    return
  }
}

</mosaic_0001>

<sc_bundles>
// kernel: _run.10.cloned.1.call-start
scs
__scs_entry_jumppad:
0x0: {  	(pc) =	sbr.rel $0x88, $3  }
0x1: {  	(tag) =	ssettag $0x0;
	lr =	simm.s32 $0x1  }
0x2: {  	[smem:$0x3F92] =	sst lr;
	_ =	strace $0xD0000000  }
0x3: {  	_ = 	snop  }
0x4: {  	_ = 	snop  }
0x5: {  	_ = 	snop  }
0x6: {  	_ = 	snop  }
0x7: {  	_ = 	snop  }
__scs_overlays_trampoline_lowered:
0x8: {  	[smem:$0x3FA1] =	sst s0  }
0x9: {  	[smem:$0x3FA2] =	sst s1  }
0xa: {  	[smem:$0x3FA3] =	sst s2  }
0xb: {  	[smem:$0x3FA4] =	sst s3  }
0xc: {  	[smem:$0x3FA5] =	sst s4  }
0xd: {  	[smem:$0x3FA6] =	sst s5  }
0xe: {  	[smem:$0x3FA7] =	sst s6  }
0xf: {  	[smem:$0x3FA8] =	sst s7  }
0x10: {  	[smem:$0x3FA9] =	sst s8  }
0x11: {  	[smem:$0x3FAA] =	sst s9;
	s0 =	simm.s32 @!p0 $0x0  }
0x12: {  	s1 =	sld [smem:$0x3F90];
	s0 =	simm.s32 @p0 $0x1  }
0x13: {  	[smem:$0x3FAB] =	sst s0;
	s0 =	simm.s32 @!p1 $0x0  }
0x14: {  	s2 =	sld [smem:$0x3F8F];
	s0 =	simm.s32 @p1 $0x1  }
0x15: {  	[smem:$0x3FAC] =	sst s0;
	s0 =	simm.s32 @!p2 $0x0  }
0x16: {  	s3 =	sld [smem:$0x3FDB];
	s0 =	simm.s32 @p2 $0x1  }
0x17: {  	s4 =	simm.s32 $0x1BF5;
	[smem:$0x3FAE] =	sst s0  }
0x18: {  	s0 =	sld [smem:$0x3F91];
	_ =	swait.ge [sflag:s4], $0x0  }
0x19: {  	s7 =	sld [smem:$0x3F92]  }
0x1a: {  	s8 =	sadd.s32 $0xFFFFE003, lr  }
0x1b: {  	s9 =	sadd.s32 $0xFFFFFEF7, lr;
	s5 =	simm.s32 $0xFFFFFFFF;
	p2 =	slt.u32 s8, $0xFFFFF086  }
0x1c: {  	p1 =	slt.u32 s9, $0xF7A;
	s5 =	simm.s32 @!p2 $0x0  }
0x1d: {  	s5 =	simm.s32 @p1 $0x1;
	p0 =	seq.s32 s7, s2  }
0x1e: {  	s7 =	smul.u32 @!p0 $0xF7A, s2;
	p2 =	seq.s32 @!p0 s5, $0x0  }
0x1f: {  	s9 =	smul.u32 $0xF7A, s1;
	s8 =	simm.s32 @!p0 $0x1BF5;
	p2 =	por !p2, p0  }
0x20: {  	[sflag:s8] =	ssyncset.s32 @!p0 $0xFFFFF086;
	s6 =	sadd.s32 @!p0 s3, s7;
	s7 =	simm.s32 @!p0 $0x108  }
0x21: {  	s3 =	sadd.s32 s3, s9;
	s6 =	sadd.s32 @!p0 $0x88, s6;
	s7 =	simm.s32 @p2 $0x1082  }
0x22: {  	[simem:s7], [sflag:s8] =	dma.local @!p0 [hbm:s6], $0xF7A  }
0x23: {  	s9 =	sor.u32 $0xD0000000, s2;
	s6 =	simm.s32 $0x108;
	_ =	swait.ge @!p0 [sflag:s8], $0x0  }
0x24: {  	s3 =	sadd.s32 $0x88, s3;
	s6 =	simm.s32 @!p1 $0x1082;
	[sflag:s4] =	ssyncset.s32 $0xFFFFF086  }
0x25: {  	[simem:s6], [sflag:s4] =	dma.local [hbm:s3], $0xF7A  }
0x26: {  	[smem:$0x3F92] =	sst s1;
	(tag) =	ssettag s2;
	_ =	strace s9  }
0x27: {  	s1 =	sld [smem:$0x3FA2]  }
0x28: {  	s2 =	sld [smem:$0x3FA3]  }
0x29: {  	s4 =	sld [smem:$0x3FA5]  }
0x2a: {  	p0 =	seq.s32 s5, $0x0;
	s5 =	sld [smem:$0x3FA6]  }
0x2b: {  	s6 =	sld [smem:$0x3FA7]  }
0x2c: {  	s7 =	sld [smem:$0x3FA8]  }
0x2d: {  	s3 =	simm.s32 $0x108;
	s8 =	sld [smem:$0x3FA9]  }
0x2e: {  	s3 =	simm.s32 @!p0 $0x1082;
	s9 =	sld [smem:$0x3FAA]  }
0x2f: {  	lr =	sadd.s32 s0, s3;
	s0 =	sld [smem:$0x3FA1]  }
0x30: {  	s3 =	sld [smem:$0x3FA4]  }
0x31: {  	[smem:$0x3FAD] =	sst s10  }
0x32: {  	s10 =	sld [smem:$0x3FAB];
	_ =	sdelay $0x3  }
0x33: {  	p0 =	seq.s32 s10, $0x1;
	s10 =	sld [smem:$0x3FAD];
	_ =	sdelay $0x3  }
0x34: {  	[smem:$0x3FAD] =	sst s10  }
0x35: {  	s10 =	sld [smem:$0x3FAC];
	_ =	sdelay $0x3  }
0x36: {  	p1 =	seq.s32 s10, $0x1;
	s10 =	sld [smem:$0x3FAD];
	_ =	sdelay $0x3  }
0x37: {  	[smem:$0x3FAD] =	sst s10  }
0x38: {  	s10 =	sld [smem:$0x3FAE]  }
0x39: {  	_ = 	snop;
	(pc) =	sbr.ind lr, $3  }
0x3a: {  	_ = 	snop  }
0x3b: {  	_ = 	snop  }
0x3c: {  	p2 =	seq.s32 s10, $0x1;
	s10 =	sld [smem:$0x3FAD]  }
0x3d: {  	_ =	shalt  }
0x3e: {  	_ =	shalt  }
0x3f: {  	_ =	shalt  }
0x40: {  	_ =	shalt  }
0x41: {  	_ =	shalt  }
0x42: {  	_ =	shalt  }
0x43: {  	_ =	shalt  }
0x44: {  	_ =	shalt  }
0x45: {  	_ =	shalt  }
0x46: {  	_ =	shalt  }
0x47: {  	_ =	shalt  }
0x48: {  	_ =	shalt  }
0x49: {  	_ =	shalt  }
0x4a: {  	_ =	shalt  }
0x4b: {  	_ =	shalt  }
0x4c: {  	_ =	shalt  }
0x4d: {  	_ =	shalt  }
0x4e: {  	_ =	shalt  }
0x4f: {  	_ =	shalt  }
0x50: {  	_ =	shalt  }
0x51: {  	_ =	shalt  }
0x52: {  	_ =	shalt  }
0x53: {  	_ =	shalt  }
0x54: {  	_ =	shalt  }
0x55: {  	_ =	shalt  }
0x56: {  	_ =	shalt  }
0x57: {  	_ =	shalt  }
0x58: {  	_ =	shalt  }
0x59: {  	_ =	shalt  }
0x5a: {  	_ =	shalt  }
0x5b: {  	_ =	shalt  }
0x5c: {  	_ =	shalt  }
0x5d: {  	_ =	shalt  }
0x5e: {  	_ =	shalt  }
0x5f: {  	_ =	shalt  }
0x60: {  	_ =	shalt  }
0x61: {  	_ =	shalt  }
0x62: {  	_ =	shalt  }
0x63: {  	_ =	shalt  }
0x64: {  	_ =	shalt  }
0x65: {  	_ =	shalt  }
0x66: {  	_ =	shalt  }
0x67: {  	_ =	shalt  }
0x68: {  	_ =	shalt  }
0x69: {  	_ =	shalt  }
0x6a: {  	_ =	shalt  }
0x6b: {  	_ =	shalt  }
0x6c: {  	_ =	shalt  }
0x6d: {  	_ =	shalt  }
0x6e: {  	_ =	shalt  }
0x6f: {  	_ =	shalt  }
0x70: {  	_ =	shalt  }
0x71: {  	_ =	shalt  }
0x72: {  	_ =	shalt  }
0x73: {  	_ =	shalt  }
0x74: {  	_ =	shalt  }
0x75: {  	_ =	shalt  }
0x76: {  	_ =	shalt  }
0x77: {  	_ =	shalt  }
0x78: {  	_ =	shalt  }
0x79: {  	_ =	shalt  }
0x7a: {  	_ =	shalt  }
0x7b: {  	_ =	shalt  }
0x7c: {  	_ =	shalt  }
0x7d: {  	_ =	shalt  }
0x7e: {  	_ =	shalt  }
0x7f: {  	_ =	shalt  }
0x80: {  	_ =	shalt  }
0x81: {  	_ =	shalt  }
0x82: {  	_ =	shalt  }
0x83: {  	_ =	shalt  }
0x84: {  	_ =	shalt  }
0x85: {  	_ =	shalt  }
0x86: {  	_ =	shalt  }
0x87: {  	_ =	shalt  }
.Lfunc_end0:
.L_simem_size_0:
called_computation_lowered:
.L_overlay_start_0:
0x88: {  	s2 =	sld [smem:$0x3FD9]  }
0x89: {  	s3 =	sld [smem:$0x3FFE];
	_ =	sdelay $0x1  }
0x8a: {  	s1 =	srdreg.scid  }
0x8b: {  	s0 =	sand.u32 $0x1, s1  }
0x8c: {  	s16 =	sshll.u32 s0, $0xA;
	s2 =	sadd.s32 s3, s2  }
0x8d: {  	s2 =	sadd.s32 s2, s16  }
0x8e: {  	[smem:$0x3FB9] =	sst s2  }
0x8f: {  	_ = 	snop  }
0x90: {  	(tm) =	ssettm $0x1  }
0x91: {  	s17 =	sld [smem:$0x3FFB];
	_ =	sdelay $0x3  }
0x92: {  	_ =	strace s17  }
0x93: {  	s2 =	sld [smem:$0x3FFC];
	_ =	sdelay $0x3  }
0x94: {  	_ =	strace s2  }
0x95: {  	s2 =	sld [smem:$0x3FFD];
	_ =	sdelay $0x3  }
0x96: {  	_ =	strace s2  }
0x97: {  	_ =	strace $0x8FFFFFFF  }
0x98: {  	s18 =	sld [smem:$0x3FDB];
	_ =	sdelay $0x1  }
0x99: {  	s19 =	simm.s32 $_scs_section_size  }
0x9a: {  	s4 =	simm.s32 $_size__tile_overlayer_lowered;
	s5 =	simm.s32 $_tile_overlayer_lowered  }
0x9b: {  	s22 =	simm.s32 $0x1BFF;
	s21 =	sshll.u32 s5, $0x1;
	s2 =	sadd.s32 s19, s18  }
0x9c: {  	s6 =	simm.s32 $0x0;
	s20 =	sshll.u32 s4, $0x1;
	s4 =	sadd.s32 s21, s2  }
0x9d: {  	[timem:s6], [sflag:s22] =	dma.local [hbm:s4], s20  }
0x9e: {  	_ =	swait.ge [sflag:s22], s20  }
0x9f: {  	s3 =	ssub.s32 $0x0, s20;
	[sflag:s22] =	ssyncset.done $0x0  }
0xa0: {  	[sflag:s22] =	ssyncadd.s32 s3;
	_ =	sdelay $0x1  }
0xa1: {  	s23 =	simm.s32 $0x1B8B  }
0xa2: {  	_ =	swait.ge [sflag:s23], $0x1  }
0xa3: {  	[sflag:s23] =	ssyncset.done $0x0  }
0xa4: {  	s25 =	simm.s32 $0x1B8E;
	s24 =	sld [smem:$0x3FFE];
	[sflag:s23] =	ssyncadd.s32 $0xFFFFFFFF  }
0xa5: {  	s26 =	simm.s32 $execute0_lowered;
	[smem:$0x3FD2] =	sst s25  }
0xa6: {  	s4 =	sshll.u32 s26, $0x1;
	_ =	strace $0x80000046;
	[dreg:$0x1] =	wrdreg $0xFFFFFFFF  }
0xa7: {  	s28 =	simm.s32 $_size_execute0_lowered;
	s2 =	sadd.s32 s2, s4;
	[dreg:$0x0] =	wrdreg $0x0  }
0xa8: {  	s4 =	sshll.u32 s28, $0x1;
	[dreg:$0x2] =	wrdreg s2  }
0xa9: {  	[dreg:$0x3] =	wrdreg s4  }
0xaa: {  	[dreg:$0x4] =	wrdreg $0xC0  }
0xab: {  	_ =	task [dreg:s6], $0x5FFFF  }
0xac: {  	[dreg:$0x1] =	wrdreg $0xFFFFFFFF  }
0xad: {  	[dreg:$0x0] =	wrdreg $0x60  }
0xae: {  	[dreg:$0x2] =	wrdreg s24  }
0xaf: {  	[dreg:$0x3] =	wrdreg $0xB7200  }
0xb0: {  	[dreg:$0x4] =	wrdreg $0x155200  }
0xb1: {  	[dreg:$0x5] =	wrdreg $0x9  }
0xb2: {  	_ =	task.clear_ibuf [dreg:s6], $0x6FFFF;
	_ =	strace $0x90000046  }
0xb3: {  	s29 =	simm.s32 $0x9;
	_ =	strace $0x80000048  }
0xb4: {  	_ =	swait.ge [sflag:s29], $0x1  }
0xb5: {  	[sflag:s29] =	ssyncadd.s32 $0xFFFFFFFF  }
0xb6: {  	_ =	strace $0x90000048  }
0xb7: {  	_ =	sfence  }
0xb8: {  	s30 =	sld [smem:$0x0];
	_ =	sdelay $0x2  }
0xb9: {  	s31 =	sshll.u32 s1, $0xD;
	s1 =	sshrl.u32 s1, $0x2  }
0xba: {  	s3 =	sand.u32 $0x4000, s31;
	s1 =	sadd.s32 s1, s30  }
0xbb: {  	s0 =	sor.u32 s3, s0;
	s1 =	sshll.u32 s1, $0x11  }
0xbc: {  	s0 =	sor.u32 s1, s0  }
0xbd: {  	s0 =	sadd.s32 $0x8F2B, s0  }
0xbe: {  	[sflag:s0] =	ssyncadd.remote.s32 $0x1  }
0xbf: {  	_ =	sfence.sel $0xFFFF  }
0xc0: {  	[dreg:$0x0] =	wrdreg $0xFFFFFFFF;
	(pc) =	sbr.abs _section_cstart, $3  }
0xc1: {  	[dreg:$0x1] =	wrdreg $0xFFFFFFFF  }
0xc2: {  	_ =	task.clear_ibuf [dreg:s6], $0x2FFFF;
	_ =	strace $0x9FFFFFFF  }
0xc3: {  	(tm) =	ssettm $0x7FFFFFFF  }
tec
execute0_lowered:
.L_overlay_start_1:
0x0: {  	(tag) =	ssettag $0x1  }
0x1: {  	s4 =	rddreg [dreg:$0x0]  }
0x2: {  	s1 =	rddreg [dreg:$0x1]  }
0x3: {  	s2 =	rddreg [dreg:$0x2]  }
0x4: {  	s0 =	rddreg [dreg:$0x3]  }
0x5: {  	s15 =	stileid.u32;
	s5 =	srdreg.scid;
	s3 =	simm.s32 $0x0  }
0x6: {  	s19 =	simm.s32 $0x100;
	s20 =	simm.s32 $0x5000;
	s21 =	simm.s32 $0x9000  }
0x7: {  	s22 =	simm.s32 $0x2;
	s23 =	simm.s32 $0x0;
	s7 =	smul.u32 $0x9C80, s15  }
0x8: {  	s6 =	smul.u32 $0x9E00, s15;
	s8 =	sand.u32 $0x1, s5;
	[smem:$0x7FF] =	sst s3  }
0x9: {  	s25 =	sshll.u32 s15, $0x1;
	s11 =	sadd.s32 $0x2600, s4;
	p0 =	sne.s32 s15, $0x0  }
0xa: {  	s9 =	smul.u32 $0x9E000, s8;
	_ =	strace $0x80000047;
	s5 =	sor.u32 s8, s25  }
0xb: {  	s26 =	ssub.s32 $0x2, s8;
	s31 =	sshll.u32 s8, $0x5;
	s24 =	sshrl.u32 s7, $0x3  }
0xc: {  	s12 =	sshrl.u32 s6, $0x3;
	s13 =	smul.u32 $0x4E4, s5;
	s28 =	sshrl.u32 s26, $0x1  }
0xd: {  	s16 =	smul.u32 $0x2700, s5;
	s18 =	sadd.s32 s6, s1;
	s30 =	sadd.s32 s7, s2  }
0xe: {  	s10 =	sadd.s32 s24, s4;
	s9 =	sadd.s32 s6, s9;
	s12 =	sadd.s32 s12, s4  }
0xf: {  	s17 =	ssub.s32 s26, s28;
	s9 =	sshrl.u32 s9, $0x3;
	s13 =	sadd.s32 s13, s4  }
0x10: {  	s5 =	sadd.s32 $0x29A00, s12;
	s29 =	sshrl.u32 s16, $0x3;
	s8 =	sadd.s32 $0x16000, s10  }
0x11: {  	s16 =	sshrl.u32 s30, $0x3;
	s14 =	sadd.s32 s9, s4;
	s4 =	sshll.u32 s15, $0x6  }
0x12: {  	s7 =	sadd.s32 s11, s29;
	s11 =	sadd.s32 s31, s11;
	s12 =	sadd.s32 $0x64E00, s13  }
0x13: {  	s15 =	sshrl.u32 s18, $0x3;
	s18 =	simm.s32 $0x1;
	s6 =	sor.u32 $0x1C01, s4  }
0x14: {  	s9 =	sadd.s32 $0x9C40, s7;
	s10 =	sadd.s32 $0x9C00, s11;
	s11 =	sadd.s32 $0x13840, s11  }
0x15: {  	v0 =	vimm.f32 $0.0e+00;
	v1 =	vimm.f32 $1.000000000e+00;
	s13 =	sadd.s32 $0x3D600, s14;
	s14 =	smax.u32 s17, $0x1;
	s17 =	simm.s32 $0x2800  }
.LBB2_1:
0x16: {  	[spmem:s15], [sflag:s6] =	dma.local [hbm:s5], $0x13C0  }
0x17: {  	[spmem:s16], [sflag:s6] =	dma.local [hbm:s8], $0x1390  }
0x18: {  	[tilespmem:s3], [sflag:$0x1] =	stream.linear.gather [hbm4b:s7+s3], $0x2700, $0x38;
	[tilespmem:$0x1F1A0] =	vst v63  }
0x19: {  	_ = 	snop  }
0x1a: {  	[tilespmem:s17], [sflag:$0x1] =	stream.linear.gather [hbm4b:s9+s3], $0x2700, $0x38;
	[tilespmem:$0x1F1A0] =	vst v63  }
0x1b: {  	s24 =	simm.s32 @!p0 $0x0;
	s25 =	simm.s32 @!p0 $0x2700  }
0x1c: {  	[tilespmem:s25], [sflag:$0x2] =	stream.linear.gather @!p0 [hbm4b:s10+s24], $0x100, $0x38;
	[tilespmem:$0x1F1A0] =	vst v63  }
0x1d: {  	s25 =	simm.s32 @!p0 $0x2  }
0x1e: {  	_ =	swait.ge @!p0 [sflag:s25], $0x100  }
0x1f: {  	[sflag:s25] =	ssyncset.done @!p0 $0x0  }
0x20: {  	s26 =	simm.s32 @!p0 $0x4F00;
	[sflag:s25] =	ssyncadd.s32 @!p0 $0xFFFFFF00  }
0x21: {  	[tilespmem:s26], [sflag:$0x2] =	stream.linear.gather @!p0 [hbm4b:s11+s24], $0x100, $0x38;
	[tilespmem:$0x1F1A0] =	vst v63  }
0x22: {  	_ =	swait.ge @!p0 [sflag:s25], $0x100  }
0x23: {  	s24 =	simm.s32 @!p0 $0x28;
	s26 =	simm.s32 $0x0;
	[sflag:s25] =	ssyncset.done @!p0 $0x0  }
0x24: {  	s24 =	simm.s32 @p0 $0x27;
	[sflag:s25] =	ssyncadd.s32 @!p0 $0xFFFFFF00;
	s25 =	simm.s32 $0x40  }
.LBB2_2:
0x25: {  	p1 =	sne.s32 s25, $0x9C40;
	[tilespmem:s26+$0x9000] =	vst v0;
	s26 =	smov.u32 s25;
	s25 =	sadd.s32 $0x40, s25  }
.Ltmp0:
0x26: {  	(pc) =	sbr.rel @p1 .LBB2_2-.Ltmp0, $2  }
0x27: {  	_ =	sdelay $0x2  }
0x28: {  	s26 =	sshra.s32 s26, $0x2  }
0x29: {  	[tilespmem:s26+$0x9000] =	vst v0  }
0x2a: {  	_ =	swait.ge [sflag:s18], $0x13C0  }
0x2b: {  	[sflag:s18] =	ssyncset.done $0x0  }
0x2c: {  	[sflag:s18] =	ssyncadd.s32 $0xFFFFEC40  }
0x2d: {  	_ =	swait.ge [sflag:s18], $0x1390  }
0x2e: {  	[sflag:s18] =	ssyncset.done $0x0  }
0x2f: {  	[sflag:s18] =	ssyncadd.s32 $0xFFFFEC70  }
0x30: {  	_ =	swait.ge [sflag:s18], $0x2700  }
0x31: {  	[sflag:s18] =	ssyncset.done $0x0  }
0x32: {  	[sflag:s18] =	ssyncadd.s32 $0xFFFFD900  }
0x33: {  	_ =	swait.ge [sflag:s18], $0x2700  }
0x34: {  	[sflag:s18] =	ssyncset.done $0x0  }
0x35: {  	[sflag:s18] =	ssyncadd.s32 $0xFFFFD900  }
0x36: {  	s25 =	simm.s32 $0x0;
	s26 =	simm.s32 $0x2800;
	[bflag:$0x0] =	sbarrier.arrive $0xFFFF  }
.LBB2_4:
0x37: {  	[tilespmem:s20], [sflag:$0x1] =	stream.indirect.gather [spmem:s2], $0x40, s25, s19, $0xb8;
	[tilespmem:$0x1F1A0] =	vst v63  }
0x38: {  	v2 =	vld [tilespmem:s26+$0x0];
	_ =	sdelay $0x7  }
0x39: {  	[tilespmem:v2+s21+$0x0] =	vst.idx.add.f32.msk $0xffff, v1  }
0x3a: {  	v2 =	vld [tilespmem:s26+$0x10];
	_ =	sdelay $0x7  }
0x3b: {  	[tilespmem:v2+s21+$0x0] =	vst.idx.add.f32.msk $0xffff, v1  }
0x3c: {  	v2 =	vld [tilespmem:s26+$0x20];
	_ =	sdelay $0x7  }
0x3d: {  	[tilespmem:v2+s21+$0x0] =	vst.idx.add.f32.msk $0xffff, v1  }
0x3e: {  	v2 =	vld [tilespmem:s26+$0x30];
	_ =	sdelay $0x7  }
0x3f: {  	[tilespmem:v2+s21+$0x0] =	vst.idx.add.f32.msk $0xffff, v1  }
0x40: {  	v2 =	vld [tilespmem:s26+$0x40];
	_ =	sdelay $0x7  }
0x41: {  	[tilespmem:v2+s21+$0x0] =	vst.idx.add.f32.msk $0xffff, v1  }
0x42: {  	v2 =	vld [tilespmem:s26+$0x50];
	_ =	sdelay $0x7  }
0x43: {  	[tilespmem:v2+s21+$0x0] =	vst.idx.add.f32.msk $0xffff, v1  }
0x44: {  	v2 =	vld [tilespmem:s26+$0x60];
	_ =	sdelay $0x7  }
0x45: {  	[tilespmem:v2+s21+$0x0] =	vst.idx.add.f32.msk $0xffff, v1  }
0x46: {  	v2 =	vld [tilespmem:s26+$0x70];
	_ =	sdelay $0x7  }
0x47: {  	[tilespmem:v2+s21+$0x0] =	vst.idx.add.f32.msk $0xffff, v1  }
0x48: {  	v2 =	vld [tilespmem:s26+$0x80];
	_ =	sdelay $0x7  }
0x49: {  	[tilespmem:v2+s21+$0x0] =	vst.idx.add.f32.msk $0xffff, v1  }
0x4a: {  	v2 =	vld [tilespmem:s26+$0x90];
	_ =	sdelay $0x7  }
0x4b: {  	[tilespmem:v2+s21+$0x0] =	vst.idx.add.f32.msk $0xffff, v1  }
0x4c: {  	v2 =	vld [tilespmem:s26+$0xA0];
	_ =	sdelay $0x7  }
0x4d: {  	[tilespmem:v2+s21+$0x0] =	vst.idx.add.f32.msk $0xffff, v1  }
0x4e: {  	v2 =	vld [tilespmem:s26+$0xB0];
	_ =	sdelay $0x7  }
0x4f: {  	[tilespmem:v2+s21+$0x0] =	vst.idx.add.f32.msk $0xffff, v1  }
0x50: {  	v2 =	vld [tilespmem:s26+$0xC0];
	_ =	sdelay $0x7  }
0x51: {  	[tilespmem:v2+s21+$0x0] =	vst.idx.add.f32.msk $0xffff, v1  }
0x52: {  	v2 =	vld [tilespmem:s26+$0xD0];
	_ =	sdelay $0x7  }
0x53: {  	[tilespmem:v2+s21+$0x0] =	vst.idx.add.f32.msk $0xffff, v1  }
0x54: {  	v2 =	vld [tilespmem:s26+$0xE0];
	_ =	sdelay $0x7  }
0x55: {  	[tilespmem:v2+s21+$0x0] =	vst.idx.add.f32.msk $0xffff, v1  }
0x56: {  	v2 =	vld [tilespmem:s26+$0xF0];
	_ =	sdelay $0x7  }
0x57: {  	[tilespmem:v2+s21+$0x0] =	vst.idx.add.f32.msk $0xffff, v1  }
0x58: {  	_ =	swait.ge [sflag:s18], $0x4000  }
0x59: {  	p1 =	sne.s32 s24, $0x1;
	[sflag:s18] =	ssyncset.done $0x0  }
.Ltmp1:
0x5a: {  	[sflag:s18] =	ssyncadd.s32 $0xFFFFC000;
	(pc) =	sbr.rel @p1 .LBB2_4-.Ltmp1, $4  }
0x5b: {  	[spmem:s1] =	stream.indirect.scatter.add.f32 [tilespmem:s20], [sflag:$0x2], $0x40, s26, s19, $0xb8;
	[tilespmem:$0x1F1A0] =	vst v63  }
0x5c: {  	_ =	swait.ge [sflag:s22], $0x4000  }
0x5d: {  	s25 =	sadd.s32 $0x100, s25;
	[sflag:s22] =	ssyncset.done $0x0  }
0x5e: {  	s24 =	sadd.s32 $0xFFFFFFFF, s24;
	s26 =	sadd.s32 $0x100, s26;
	[sflag:s22] =	ssyncadd.s32 $0xFFFFC000  }
0x5f: {  	[hbm4b:s12+s3] =	stream.linear.scatter [tilespmem:s21], [sflag:$0x2], $0x2720, $0x38;
	[tilespmem:$0x1F1A0] =	vst v63  }
0x60: {  	_ =	swait.ge [sflag:s22], $0x2720  }
0x61: {  	s23 =	sadd.s32 $0x1, s23;
	[sflag:s22] =	ssyncset.done $0x0  }
0x62: {  	p1 =	sne.s32 s23, s14;
	[sflag:s22] =	ssyncadd.s32 $0xFFFFD8E0  }
.Ltmp2:
0x63: {  	s24 =	sor.u32 $0x1C02, s4;
	[bflag:$0x0] =	sbarrier.arrive $0xFFFF;
	(pc) =	sbr.rel @p1 .LBB2_1-.Ltmp2, $4  }
0x64: {  	[hbm:s13], [sflag:s24] =	dma.local [spmem:s15], $0x13C0  }
0x65: {  	_ =	swait.ge [sflag:s22], $0x13C0  }
0x66: {  	[sflag:s22] =	ssyncset.done $0x0  }
0x67: {  	[sflag:s22] =	ssyncadd.s32 $0xFFFFEC40  }
0x68: {  	_ =	sfence.sel $0x180000  }
0x69: {  	[bflag:$0x0] =	sbarrier.arrive $0xFFFF  }
0x6a: {  	_ =	strace $0x90000047  }
0x6b: {  	s0 =	sadd.s32 @!p0 $0x100000, s0;
	[bflag:$0x2] =	sbarrier.arrive $0xFFFF  }
0x6c: {  	[sflag:s0] =	ssyncadd.tile.s32 @!p0 $0x1;
	_ =	shalt  }
.Lfunc_end2:
_tile_overlayer_lowered:
.L_overlay_start_2:
0x6d: {  	(tag) =	ssettag $0x2  }
0x6e: {  	s0 =	rddreg [dreg:$0x0];
	s2 =	stileid.u32  }
0x6f: {  	s1 =	rddreg [dreg:$0x1];
	p0 =	sne.s32 s2, $0x0  }
0x70: {  	s3 =	rddreg [dreg:$0x2];
	[bflag:$0x3] =	sbarrier.arrive $0xFFFF;
	s2 =	simm.s32 @!p0 $0x1C02  }
0x71: {  	[timem:s3], [sflag:s2] =	dma.local @!p0 [hbm:s0], s1  }
0x72: {  	s0 =	simm.s32 @!p0 $0x2  }
0x73: {  	_ =	swait.ge @!p0 [sflag:s0], s1  }
0x74: {  	s1 =	ssub.s32 @!p0 $0x0, s1;
	[sflag:s0] =	ssyncset.done @!p0 $0x0  }
0x75: {  	[sflag:s0] =	ssyncadd.s32 @!p0 s1  }
0x76: {  	[bflag:$0x3] =	sbarrier.arrive $0xFFFF  }
0x77: {  	_ =	shalt  }

// kernel: _run.13.cloned.1.call-start
scs
__scs_entry_jumppad:
0x0: {  	(pc) =	sbr.rel $0x88, $3  }
0x1: {  	(tag) =	ssettag $0x0;
	lr =	simm.s32 $0x1  }
0x2: {  	[smem:$0x3F92] =	sst lr;
	_ =	strace $0xD0000000  }
0x3: {  	_ = 	snop  }
0x4: {  	_ = 	snop  }
0x5: {  	_ = 	snop  }
0x6: {  	_ = 	snop  }
0x7: {  	_ = 	snop  }
__scs_overlays_trampoline_lowered:
0x8: {  	[smem:$0x3FA1] =	sst s0  }
0x9: {  	[smem:$0x3FA2] =	sst s1  }
0xa: {  	[smem:$0x3FA3] =	sst s2  }
0xb: {  	[smem:$0x3FA4] =	sst s3  }
0xc: {  	[smem:$0x3FA5] =	sst s4  }
0xd: {  	[smem:$0x3FA6] =	sst s5  }
0xe: {  	[smem:$0x3FA7] =	sst s6  }
0xf: {  	[smem:$0x3FA8] =	sst s7  }
0x10: {  	[smem:$0x3FA9] =	sst s8  }
0x11: {  	[smem:$0x3FAA] =	sst s9;
	s0 =	simm.s32 @!p0 $0x0  }
0x12: {  	s1 =	sld [smem:$0x3F90];
	s0 =	simm.s32 @p0 $0x1  }
0x13: {  	[smem:$0x3FAB] =	sst s0;
	s0 =	simm.s32 @!p1 $0x0  }
0x14: {  	s2 =	sld [smem:$0x3F8F];
	s0 =	simm.s32 @p1 $0x1  }
0x15: {  	[smem:$0x3FAC] =	sst s0;
	s0 =	simm.s32 @!p2 $0x0  }
0x16: {  	s3 =	sld [smem:$0x3FDB];
	s0 =	simm.s32 @p2 $0x1  }
0x17: {  	s4 =	simm.s32 $0x1BF5;
	[smem:$0x3FAE] =	sst s0  }
0x18: {  	s0 =	sld [smem:$0x3F91];
	_ =	swait.ge [sflag:s4], $0x0  }
0x19: {  	s7 =	sld [smem:$0x3F92]  }
0x1a: {  	s8 =	sadd.s32 $0xFFFFE003, lr  }
0x1b: {  	s9 =	sadd.s32 $0xFFFFFEF7, lr;
	s5 =	simm.s32 $0xFFFFFFFF;
	p2 =	slt.u32 s8, $0xFFFFF086  }
0x1c: {  	p1 =	slt.u32 s9, $0xF7A;
	s5 =	simm.s32 @!p2 $0x0  }
0x1d: {  	s5 =	simm.s32 @p1 $0x1;
	p0 =	seq.s32 s7, s2  }
0x1e: {  	s7 =	smul.u32 @!p0 $0xF7A, s2;
	p2 =	seq.s32 @!p0 s5, $0x0  }
0x1f: {  	s9 =	smul.u32 $0xF7A, s1;
	s8 =	simm.s32 @!p0 $0x1BF5;
	p2 =	por !p2, p0  }
0x20: {  	[sflag:s8] =	ssyncset.s32 @!p0 $0xFFFFF086;
	s6 =	sadd.s32 @!p0 s3, s7;
	s7 =	simm.s32 @!p0 $0x108  }
0x21: {  	s3 =	sadd.s32 s3, s9;
	s6 =	sadd.s32 @!p0 $0x88, s6;
	s7 =	simm.s32 @p2 $0x1082  }
0x22: {  	[simem:s7], [sflag:s8] =	dma.local @!p0 [hbm:s6], $0xF7A  }
0x23: {  	s9 =	sor.u32 $0xD0000000, s2;
	s6 =	simm.s32 $0x108;
	_ =	swait.ge @!p0 [sflag:s8], $0x0  }
0x24: {  	s3 =	sadd.s32 $0x88, s3;
	s6 =	simm.s32 @!p1 $0x1082;
	[sflag:s4] =	ssyncset.s32 $0xFFFFF086  }
0x25: {  	[simem:s6], [sflag:s4] =	dma.local [hbm:s3], $0xF7A  }
0x26: {  	[smem:$0x3F92] =	sst s1;
	(tag) =	ssettag s2;
	_ =	strace s9  }
0x27: {  	s1 =	sld [smem:$0x3FA2]  }
0x28: {  	s2 =	sld [smem:$0x3FA3]  }
0x29: {  	s4 =	sld [smem:$0x3FA5]  }
0x2a: {  	p0 =	seq.s32 s5, $0x0;
	s5 =	sld [smem:$0x3FA6]  }
0x2b: {  	s6 =	sld [smem:$0x3FA7]  }
0x2c: {  	s7 =	sld [smem:$0x3FA8]  }
0x2d: {  	s3 =	simm.s32 $0x108;
	s8 =	sld [smem:$0x3FA9]  }
0x2e: {  	s3 =	simm.s32 @!p0 $0x1082;
	s9 =	sld [smem:$0x3FAA]  }
0x2f: {  	lr =	sadd.s32 s0, s3;
	s0 =	sld [smem:$0x3FA1]  }
0x30: {  	s3 =	sld [smem:$0x3FA4]  }
0x31: {  	[smem:$0x3FAD] =	sst s10  }
0x32: {  	s10 =	sld [smem:$0x3FAB];
	_ =	sdelay $0x3  }
0x33: {  	p0 =	seq.s32 s10, $0x1;
	s10 =	sld [smem:$0x3FAD];
	_ =	sdelay $0x3  }
0x34: {  	[smem:$0x3FAD] =	sst s10  }
0x35: {  	s10 =	sld [smem:$0x3FAC];
	_ =	sdelay $0x3  }
0x36: {  	p1 =	seq.s32 s10, $0x1;
	s10 =	sld [smem:$0x3FAD];
	_ =	sdelay $0x3  }
0x37: {  	[smem:$0x3FAD] =	sst s10  }
0x38: {  	s10 =	sld [smem:$0x3FAE]  }
0x39: {  	_ = 	snop;
	(pc) =	sbr.ind lr, $3  }
0x3a: {  	_ = 	snop  }
0x3b: {  	_ = 	snop  }
0x3c: {  	p2 =	seq.s32 s10, $0x1;
	s10 =	sld [smem:$0x3FAD]  }
0x3d: {  	_ =	shalt  }
0x3e: {  	_ =	shalt  }
0x3f: {  	_ =	shalt  }
0x40: {  	_ =	shalt  }
0x41: {  	_ =	shalt  }
0x42: {  	_ =	shalt  }
0x43: {  	_ =	shalt  }
0x44: {  	_ =	shalt  }
0x45: {  	_ =	shalt  }
0x46: {  	_ =	shalt  }
0x47: {  	_ =	shalt  }
0x48: {  	_ =	shalt  }
0x49: {  	_ =	shalt  }
0x4a: {  	_ =	shalt  }
0x4b: {  	_ =	shalt  }
0x4c: {  	_ =	shalt  }
0x4d: {  	_ =	shalt  }
0x4e: {  	_ =	shalt  }
0x4f: {  	_ =	shalt  }
0x50: {  	_ =	shalt  }
0x51: {  	_ =	shalt  }
0x52: {  	_ =	shalt  }
0x53: {  	_ =	shalt  }
0x54: {  	_ =	shalt  }
0x55: {  	_ =	shalt  }
0x56: {  	_ =	shalt  }
0x57: {  	_ =	shalt  }
0x58: {  	_ =	shalt  }
0x59: {  	_ =	shalt  }
0x5a: {  	_ =	shalt  }
0x5b: {  	_ =	shalt  }
0x5c: {  	_ =	shalt  }
0x5d: {  	_ =	shalt  }
0x5e: {  	_ =	shalt  }
0x5f: {  	_ =	shalt  }
0x60: {  	_ =	shalt  }
0x61: {  	_ =	shalt  }
0x62: {  	_ =	shalt  }
0x63: {  	_ =	shalt  }
0x64: {  	_ =	shalt  }
0x65: {  	_ =	shalt  }
0x66: {  	_ =	shalt  }
0x67: {  	_ =	shalt  }
0x68: {  	_ =	shalt  }
0x69: {  	_ =	shalt  }
0x6a: {  	_ =	shalt  }
0x6b: {  	_ =	shalt  }
0x6c: {  	_ =	shalt  }
0x6d: {  	_ =	shalt  }
0x6e: {  	_ =	shalt  }
0x6f: {  	_ =	shalt  }
0x70: {  	_ =	shalt  }
0x71: {  	_ =	shalt  }
0x72: {  	_ =	shalt  }
0x73: {  	_ =	shalt  }
0x74: {  	_ =	shalt  }
0x75: {  	_ =	shalt  }
0x76: {  	_ =	shalt  }
0x77: {  	_ =	shalt  }
0x78: {  	_ =	shalt  }
0x79: {  	_ =	shalt  }
0x7a: {  	_ =	shalt  }
0x7b: {  	_ =	shalt  }
0x7c: {  	_ =	shalt  }
0x7d: {  	_ =	shalt  }
0x7e: {  	_ =	shalt  }
0x7f: {  	_ =	shalt  }
0x80: {  	_ =	shalt  }
0x81: {  	_ =	shalt  }
0x82: {  	_ =	shalt  }
0x83: {  	_ =	shalt  }
0x84: {  	_ =	shalt  }
0x85: {  	_ =	shalt  }
0x86: {  	_ =	shalt  }
0x87: {  	_ =	shalt  }
.Lfunc_end0:
.L_simem_size_0:
called_computation.1_lowered:
.L_overlay_start_0:
0x88: {  	s2 =	sld [smem:$0x3FD9]  }
0x89: {  	s3 =	sld [smem:$0x3FFE];
	_ =	sdelay $0x1  }
0x8a: {  	s1 =	srdreg.scid  }
0x8b: {  	s0 =	sand.u32 $0x1, s1  }
0x8c: {  	s16 =	sshll.u32 s0, $0xA;
	s2 =	sadd.s32 s3, s2  }
0x8d: {  	s2 =	sadd.s32 s2, s16  }
0x8e: {  	[smem:$0x3FB9] =	sst s2  }
0x8f: {  	_ = 	snop  }
0x90: {  	(tm) =	ssettm $0x1  }
0x91: {  	s17 =	sld [smem:$0x3FFB];
	_ =	sdelay $0x3  }
0x92: {  	_ =	strace s17  }
0x93: {  	s2 =	sld [smem:$0x3FFC];
	_ =	sdelay $0x3  }
0x94: {  	_ =	strace s2  }
0x95: {  	s2 =	sld [smem:$0x3FFD];
	_ =	sdelay $0x3  }
0x96: {  	_ =	strace s2  }
0x97: {  	_ =	strace $0x8FFFFFFF  }
0x98: {  	s18 =	sld [smem:$0x3FDB];
	_ =	sdelay $0x1  }
0x99: {  	s19 =	simm.s32 $_scs_section_size  }
0x9a: {  	s4 =	simm.s32 $_size__tile_overlayer_lowered;
	s5 =	simm.s32 $_tile_overlayer_lowered  }
0x9b: {  	s22 =	simm.s32 $0x1BFF;
	s21 =	sshll.u32 s5, $0x1;
	s2 =	sadd.s32 s19, s18  }
0x9c: {  	s6 =	simm.s32 $0x0;
	s20 =	sshll.u32 s4, $0x1;
	s4 =	sadd.s32 s21, s2  }
0x9d: {  	[timem:s6], [sflag:s22] =	dma.local [hbm:s4], s20  }
0x9e: {  	_ =	swait.ge [sflag:s22], s20  }
0x9f: {  	s3 =	ssub.s32 $0x0, s20;
	[sflag:s22] =	ssyncset.done $0x0  }
0xa0: {  	[sflag:s22] =	ssyncadd.s32 s3;
	_ =	sdelay $0x1  }
0xa1: {  	s23 =	simm.s32 $0x1B8B  }
0xa2: {  	_ =	swait.ge [sflag:s23], $0x1  }
0xa3: {  	[sflag:s23] =	ssyncset.done $0x0  }
0xa4: {  	s25 =	simm.s32 $0x1B8E;
	s24 =	sld [smem:$0x3FFE];
	[sflag:s23] =	ssyncadd.s32 $0xFFFFFFFF  }
0xa5: {  	s26 =	simm.s32 $execute0_lowered;
	[smem:$0x3FD2] =	sst s25  }
0xa6: {  	s4 =	sshll.u32 s26, $0x1;
	_ =	strace $0x80000049;
	[dreg:$0x1] =	wrdreg $0xFFFFFFFF  }
0xa7: {  	s28 =	simm.s32 $_size_execute0_lowered;
	s2 =	sadd.s32 s2, s4;
	[dreg:$0x0] =	wrdreg $0x0  }
0xa8: {  	s4 =	sshll.u32 s28, $0x1;
	[dreg:$0x2] =	wrdreg s2  }
0xa9: {  	[dreg:$0x3] =	wrdreg s4  }
0xaa: {  	[dreg:$0x4] =	wrdreg $0xC0  }
0xab: {  	_ =	task [dreg:s6], $0x5FFFF  }
0xac: {  	[dreg:$0x1] =	wrdreg $0xFFFFFFFF  }
0xad: {  	[dreg:$0x0] =	wrdreg $0x60  }
0xae: {  	[dreg:$0x2] =	wrdreg s24  }
0xaf: {  	[dreg:$0x3] =	wrdreg $0x70000  }
0xb0: {  	[dreg:$0x4] =	wrdreg $0xBF000  }
0xb1: {  	[dreg:$0x5] =	wrdreg $0x9  }
0xb2: {  	_ =	task.clear_ibuf [dreg:s6], $0x6FFFF;
	_ =	strace $0x90000049  }
0xb3: {  	s29 =	simm.s32 $0x9;
	_ =	strace $0x8000004B  }
0xb4: {  	_ =	swait.ge [sflag:s29], $0x1  }
0xb5: {  	[sflag:s29] =	ssyncadd.s32 $0xFFFFFFFF  }
0xb6: {  	_ =	strace $0x9000004B  }
0xb7: {  	_ =	sfence  }
0xb8: {  	s30 =	sld [smem:$0x0];
	_ =	sdelay $0x2  }
0xb9: {  	s31 =	sshll.u32 s1, $0xD;
	s1 =	sshrl.u32 s1, $0x2  }
0xba: {  	s3 =	sand.u32 $0x4000, s31;
	s1 =	sadd.s32 s1, s30  }
0xbb: {  	s0 =	sor.u32 s3, s0;
	s1 =	sshll.u32 s1, $0x11  }
0xbc: {  	s0 =	sor.u32 s1, s0  }
0xbd: {  	s0 =	sadd.s32 $0x8F2B, s0  }
0xbe: {  	[sflag:s0] =	ssyncadd.remote.s32 $0x1  }
0xbf: {  	_ =	sfence.sel $0xFFFF  }
0xc0: {  	[dreg:$0x0] =	wrdreg $0xFFFFFFFF;
	(pc) =	sbr.abs _section_cstart, $3  }
0xc1: {  	[dreg:$0x1] =	wrdreg $0xFFFFFFFF  }
0xc2: {  	_ =	task.clear_ibuf [dreg:s6], $0x2FFFF;
	_ =	strace $0x9FFFFFFF  }
0xc3: {  	(tm) =	ssettm $0x7FFFFFFF  }
tec
execute0_lowered:
.L_overlay_start_1:
0x0: {  	(tag) =	ssettag $0x1  }
0x1: {  	s4 =	rddreg [dreg:$0x0]  }
0x2: {  	s1 =	rddreg [dreg:$0x1]  }
0x3: {  	s2 =	rddreg [dreg:$0x2]  }
0x4: {  	s14 =	stileid.u32;
	s0 =	rddreg [dreg:$0x3];
	s3 =	simm.s32 $0x0  }
0x5: {  	s5 =	srdreg.scid;
	s18 =	simm.s32 $0x100;
	s19 =	simm.s32 $0x5000  }
0x6: {  	s20 =	simm.s32 $0x2;
	s21 =	simm.s32 $0x0;
	s9 =	smul.u32 $0x4E40, s14  }
0x7: {  	[smem:$0x7FF] =	sst s3;
	s7 =	smul.u32 $0x4F00, s14;
	s8 =	sand.u32 $0x1, s5  }
0x8: {  	s11 =	sadd.s32 $0x2600, s4;
	s12 =	sshll.u32 s14, $0x1;
	p0 =	sne.s32 s14, $0x0  }
0x9: {  	_ =	strace $0x8000004A;
	s5 =	smul.u32 $0x4F000, s8;
	s13 =	ssub.s32 $0x2, s8  }
0xa: {  	s12 =	sor.u32 s8, s12;
	s31 =	sshll.u32 s8, $0x5;
	s6 =	sshrl.u32 s9, $0x3  }
0xb: {  	s28 =	sshrl.u32 s7, $0x3;
	s15 =	sshrl.u32 s13, $0x1;
	s12 =	smul.u32 $0x2700, s12  }
0xc: {  	s29 =	sadd.s32 s7, s1;
	s17 =	sadd.s32 s9, s2;
	s10 =	sadd.s32 s6, s4  }
0xd: {  	s5 =	sadd.s32 s7, s5;
	s6 =	sadd.s32 s28, s4;
	s13 =	ssub.s32 s13, s15  }
0xe: {  	s15 =	simm.s32 $0x2800;
	s5 =	sshrl.u32 s5, $0x3;
	s30 =	sshrl.u32 s12, $0x3  }
0xf: {  	s9 =	sadd.s32 $0x16000, s10;
	s13 =	smax.u32 s13, $0x1;
	s16 =	sadd.s32 s5, s4  }
0x10: {  	s4 =	sadd.s32 $0x1FE00, s6;
	s5 =	sshll.u32 s14, $0x6;
	s6 =	sadd.s32 s11, s30  }
0x11: {  	s11 =	sadd.s32 s31, s11;
	s14 =	sshrl.u32 s29, $0x3;
	s7 =	sor.u32 $0x1C01, s5  }
0x12: {  	s8 =	sadd.s32 $0x9C40, s6;
	s10 =	sadd.s32 $0x9C00, s11;
	s11 =	sadd.s32 $0x13840, s11  }
0x13: {  	s12 =	sadd.s32 $0x29C00, s16;
	s16 =	sshrl.u32 s17, $0x3;
	s17 =	simm.s32 $0x1  }
.LBB2_1:
0x14: {  	[spmem:s14], [sflag:s7] =	dma.local [hbm:s4], $0x9E0  }
0x15: {  	[tilespmem:s3], [sflag:$0x1] =	stream.linear.gather [hbm4b:s6+s3], $0x2700, $0x38;
	[tilespmem:$0x10D40] =	vst v63  }
0x16: {  	s22 =	simm.s32 @!p0 $0x0;
	s23 =	simm.s32 @!p0 $0x2700  }
0x17: {  	[tilespmem:s15], [sflag:$0x1] =	stream.linear.gather [hbm4b:s8+s3], $0x2700, $0x38;
	[tilespmem:$0x10D40] =	vst v63  }
0x18: {  	[spmem:s16], [sflag:s7] =	dma.local [hbm:s9], $0x9C8  }
0x19: {  	[tilespmem:s23], [sflag:$0x2] =	stream.linear.gather @!p0 [hbm4b:s10+s22], $0x100, $0x38;
	[tilespmem:$0x10D40] =	vst v63  }
0x1a: {  	s23 =	simm.s32 @!p0 $0x2  }
0x1b: {  	_ =	swait.ge @!p0 [sflag:s23], $0x100  }
0x1c: {  	[sflag:s23] =	ssyncset.done @!p0 $0x0  }
0x1d: {  	s24 =	simm.s32 @!p0 $0x4F00;
	[sflag:s23] =	ssyncadd.s32 @!p0 $0xFFFFFF00  }
0x1e: {  	[tilespmem:s24], [sflag:$0x2] =	stream.linear.gather @!p0 [hbm4b:s11+s22], $0x100, $0x38;
	[tilespmem:$0x10D40] =	vst v63  }
0x1f: {  	_ =	swait.ge @!p0 [sflag:s23], $0x100  }
0x20: {  	[sflag:s23] =	ssyncset.done @!p0 $0x0  }
0x21: {  	[sflag:s23] =	ssyncadd.s32 @!p0 $0xFFFFFF00  }
0x22: {  	_ =	swait.ge [sflag:s17], $0x9E0  }
0x23: {  	[sflag:s17] =	ssyncset.done $0x0  }
0x24: {  	[sflag:s17] =	ssyncadd.s32 $0xFFFFF620  }
0x25: {  	_ =	swait.ge [sflag:s17], $0x2700  }
0x26: {  	[sflag:s17] =	ssyncset.done $0x0  }
0x27: {  	[sflag:s17] =	ssyncadd.s32 $0xFFFFD900  }
0x28: {  	_ =	swait.ge [sflag:s17], $0x2700  }
0x29: {  	[sflag:s17] =	ssyncset.done $0x0  }
0x2a: {  	[sflag:s17] =	ssyncadd.s32 $0xFFFFD900  }
0x2b: {  	_ =	swait.ge [sflag:s17], $0x9C8  }
0x2c: {  	[sflag:s17] =	ssyncset.done $0x0  }
0x2d: {  	s22 =	simm.s32 @!p0 $0x28;
	[sflag:s17] =	ssyncadd.s32 $0xFFFFF638  }
0x2e: {  	s22 =	simm.s32 @p0 $0x27;
	[bflag:$0x0] =	sbarrier.arrive $0xFFFF  }
0x2f: {  	[tilespmem:s19], [sflag:$0x1] =	stream.indirect.gather [spmem:s2], $0x20, s3, s18, $0xb8;
	[tilespmem:$0x10D40] =	vst v63  }
0x30: {  	p1 =	sne.s32 s22, $0x1;
	_ =	swait.ge [sflag:s17], $0x2000  }
.Ltmp0:
0x31: {  	[sflag:s17] =	ssyncset.done $0x0;
	(pc) =	sbr.rel @!p1 .LBB2_3-.Ltmp0, $4  }
0x32: {  	[sflag:s17] =	ssyncadd.s32 $0xFFFFE000  }
0x33: {  	[spmem:s1] =	stream.indirect.scatter.add.f32 [tilespmem:s19], [sflag:$0x2], $0x20, s15, s18, $0xb8;
	[tilespmem:$0x10D40] =	vst v63  }
0x34: {  	s24 =	simm.s32 $0x2800;
	_ =	swait.ge [sflag:s20], $0x2000  }
0x35: {  	s22 =	sadd.s32 $0xFFFFFFFF, s22;
	s23 =	simm.s32 $0x0;
	[sflag:s20] =	ssyncset.done $0x0  }
.LBB2_2:
0x36: {  	[sflag:s20] =	ssyncadd.s32 $0xFFFFE000;
	s23 =	sadd.s32 $0x100, s23;
	s24 =	sadd.s32 $0x100, s24  }
0x37: {  	[tilespmem:s19], [sflag:$0x1] =	stream.indirect.gather [spmem:s2], $0x20, s23, s18, $0xb8;
	[tilespmem:$0x10D40] =	vst v63  }
0x38: {  	p1 =	sne.s32 s22, $0x1;
	s22 =	sadd.s32 $0xFFFFFFFF, s22;
	_ =	swait.ge [sflag:s17], $0x2000  }
.Ltmp1:
0x39: {  	[sflag:s17] =	ssyncset.done $0x0;
	(pc) =	sbr.rel @p1 .LBB2_2-.Ltmp1, $4  }
0x3a: {  	[sflag:s17] =	ssyncadd.s32 $0xFFFFE000  }
0x3b: {  	[spmem:s1] =	stream.indirect.scatter.add.f32 [tilespmem:s19], [sflag:$0x2], $0x20, s24, s18, $0xb8;
	[tilespmem:$0x10D40] =	vst v63  }
0x3c: {  	_ =	swait.ge [sflag:s20], $0x2000  }
0x3d: {  	[sflag:s20] =	ssyncset.done $0x0  }
.LBB2_3:
0x3e: {  	s21 =	sadd.s32 $0x1, s21  }
0x3f: {  	[sflag:s20] =	ssyncadd.s32 $0xFFFFE000;
	p1 =	sne.s32 s21, s13  }
.Ltmp2:
0x40: {  	s22 =	sor.u32 $0x1C02, s5;
	[bflag:$0x0] =	sbarrier.arrive $0xFFFF;
	(pc) =	sbr.rel @p1 .LBB2_1-.Ltmp2, $4  }
0x41: {  	[hbm:s12], [sflag:s22] =	dma.local [spmem:s14], $0x9E0  }
0x42: {  	_ =	swait.ge [sflag:s20], $0x9E0  }
0x43: {  	[sflag:s20] =	ssyncset.done $0x0  }
0x44: {  	[sflag:s20] =	ssyncadd.s32 $0xFFFFF620  }
0x45: {  	_ =	sfence.sel $0x180000  }
0x46: {  	[bflag:$0x0] =	sbarrier.arrive $0xFFFF  }
0x47: {  	_ =	strace $0x9000004A  }
0x48: {  	s0 =	sadd.s32 @!p0 $0x100000, s0;
	[bflag:$0x2] =	sbarrier.arrive $0xFFFF  }
0x49: {  	[sflag:s0] =	ssyncadd.tile.s32 @!p0 $0x1;
	_ =	shalt  }
.Lfunc_end2:
_tile_overlayer_lowered:
.L_overlay_start_2:
0x4a: {  	(tag) =	ssettag $0x2  }
0x4b: {  	s0 =	rddreg [dreg:$0x0];
	s2 =	stileid.u32  }
0x4c: {  	s1 =	rddreg [dreg:$0x1];
	p0 =	sne.s32 s2, $0x0  }
0x4d: {  	s3 =	rddreg [dreg:$0x2];
	[bflag:$0x3] =	sbarrier.arrive $0xFFFF;
	s2 =	simm.s32 @!p0 $0x1C02  }
0x4e: {  	[timem:s3], [sflag:s2] =	dma.local @!p0 [hbm:s0], s1  }
0x4f: {  	s0 =	simm.s32 @!p0 $0x2  }
0x50: {  	_ =	swait.ge @!p0 [sflag:s0], s1  }
0x51: {  	s1 =	ssub.s32 @!p0 $0x0, s1;
	[sflag:s0] =	ssyncset.done @!p0 $0x0  }
0x52: {  	[sflag:s0] =	ssyncadd.s32 @!p0 s1  }
0x53: {  	[bflag:$0x3] =	sbarrier.arrive $0xFFFF  }
0x54: {  	_ =	shalt  }

// kernel: _run.16.cloned.1.call-start
scs
__scs_entry_jumppad:
0x0: {  	(pc) =	sbr.rel $0x88, $3  }
0x1: {  	(tag) =	ssettag $0x0;
	lr =	simm.s32 $0x1  }
0x2: {  	[smem:$0x3F92] =	sst lr;
	_ =	strace $0xD0000000  }
0x3: {  	_ = 	snop  }
0x4: {  	_ = 	snop  }
0x5: {  	_ = 	snop  }
0x6: {  	_ = 	snop  }
0x7: {  	_ = 	snop  }
__scs_overlays_trampoline_lowered:
0x8: {  	[smem:$0x3FA1] =	sst s0  }
0x9: {  	[smem:$0x3FA2] =	sst s1  }
0xa: {  	[smem:$0x3FA3] =	sst s2  }
0xb: {  	[smem:$0x3FA4] =	sst s3  }
0xc: {  	[smem:$0x3FA5] =	sst s4  }
0xd: {  	[smem:$0x3FA6] =	sst s5  }
0xe: {  	[smem:$0x3FA7] =	sst s6  }
0xf: {  	[smem:$0x3FA8] =	sst s7  }
0x10: {  	[smem:$0x3FA9] =	sst s8  }
0x11: {  	[smem:$0x3FAA] =	sst s9;
	s0 =	simm.s32 @!p0 $0x0  }
0x12: {  	s1 =	sld [smem:$0x3F90];
	s0 =	simm.s32 @p0 $0x1  }
0x13: {  	[smem:$0x3FAB] =	sst s0;
	s0 =	simm.s32 @!p1 $0x0  }
0x14: {  	s2 =	sld [smem:$0x3F8F];
	s0 =	simm.s32 @p1 $0x1  }
0x15: {  	[smem:$0x3FAC] =	sst s0;
	s0 =	simm.s32 @!p2 $0x0  }
0x16: {  	s3 =	sld [smem:$0x3FDB];
	s0 =	simm.s32 @p2 $0x1  }
0x17: {  	s4 =	simm.s32 $0x1BF5;
	[smem:$0x3FAE] =	sst s0  }
0x18: {  	s0 =	sld [smem:$0x3F91];
	_ =	swait.ge [sflag:s4], $0x0  }
0x19: {  	s7 =	sld [smem:$0x3F92]  }
0x1a: {  	s8 =	sadd.s32 $0xFFFFE003, lr  }
0x1b: {  	s9 =	sadd.s32 $0xFFFFFEF7, lr;
	s5 =	simm.s32 $0xFFFFFFFF;
	p2 =	slt.u32 s8, $0xFFFFF086  }
0x1c: {  	p1 =	slt.u32 s9, $0xF7A;
	s5 =	simm.s32 @!p2 $0x0  }
0x1d: {  	s5 =	simm.s32 @p1 $0x1;
	p0 =	seq.s32 s7, s2  }
0x1e: {  	s7 =	smul.u32 @!p0 $0xF7A, s2;
	p2 =	seq.s32 @!p0 s5, $0x0  }
0x1f: {  	s9 =	smul.u32 $0xF7A, s1;
	s8 =	simm.s32 @!p0 $0x1BF5;
	p2 =	por !p2, p0  }
0x20: {  	[sflag:s8] =	ssyncset.s32 @!p0 $0xFFFFF086;
	s6 =	sadd.s32 @!p0 s3, s7;
	s7 =	simm.s32 @!p0 $0x108  }
0x21: {  	s3 =	sadd.s32 s3, s9;
	s6 =	sadd.s32 @!p0 $0x88, s6;
	s7 =	simm.s32 @p2 $0x1082  }
0x22: {  	[simem:s7], [sflag:s8] =	dma.local @!p0 [hbm:s6], $0xF7A  }
0x23: {  	s9 =	sor.u32 $0xD0000000, s2;
	s6 =	simm.s32 $0x108;
	_ =	swait.ge @!p0 [sflag:s8], $0x0  }
0x24: {  	s3 =	sadd.s32 $0x88, s3;
	s6 =	simm.s32 @!p1 $0x1082;
	[sflag:s4] =	ssyncset.s32 $0xFFFFF086  }
0x25: {  	[simem:s6], [sflag:s4] =	dma.local [hbm:s3], $0xF7A  }
0x26: {  	[smem:$0x3F92] =	sst s1;
	(tag) =	ssettag s2;
	_ =	strace s9  }
0x27: {  	s1 =	sld [smem:$0x3FA2]  }
0x28: {  	s2 =	sld [smem:$0x3FA3]  }
0x29: {  	s4 =	sld [smem:$0x3FA5]  }
0x2a: {  	p0 =	seq.s32 s5, $0x0;
	s5 =	sld [smem:$0x3FA6]  }
0x2b: {  	s6 =	sld [smem:$0x3FA7]  }
0x2c: {  	s7 =	sld [smem:$0x3FA8]  }
0x2d: {  	s3 =	simm.s32 $0x108;
	s8 =	sld [smem:$0x3FA9]  }
0x2e: {  	s3 =	simm.s32 @!p0 $0x1082;
	s9 =	sld [smem:$0x3FAA]  }
0x2f: {  	lr =	sadd.s32 s0, s3;
	s0 =	sld [smem:$0x3FA1]  }
0x30: {  	s3 =	sld [smem:$0x3FA4]  }
0x31: {  	[smem:$0x3FAD] =	sst s10  }
0x32: {  	s10 =	sld [smem:$0x3FAB];
	_ =	sdelay $0x3  }
0x33: {  	p0 =	seq.s32 s10, $0x1;
	s10 =	sld [smem:$0x3FAD];
	_ =	sdelay $0x3  }
0x34: {  	[smem:$0x3FAD] =	sst s10  }
0x35: {  	s10 =	sld [smem:$0x3FAC];
	_ =	sdelay $0x3  }
0x36: {  	p1 =	seq.s32 s10, $0x1;
	s10 =	sld [smem:$0x3FAD];
	_ =	sdelay $0x3  }
0x37: {  	[smem:$0x3FAD] =	sst s10  }
0x38: {  	s10 =	sld [smem:$0x3FAE]  }
0x39: {  	_ = 	snop;
	(pc) =	sbr.ind lr, $3  }
0x3a: {  	_ = 	snop  }
0x3b: {  	_ = 	snop  }
0x3c: {  	p2 =	seq.s32 s10, $0x1;
	s10 =	sld [smem:$0x3FAD]  }
0x3d: {  	_ =	shalt  }
0x3e: {  	_ =	shalt  }
0x3f: {  	_ =	shalt  }
0x40: {  	_ =	shalt  }
0x41: {  	_ =	shalt  }
0x42: {  	_ =	shalt  }
0x43: {  	_ =	shalt  }
0x44: {  	_ =	shalt  }
0x45: {  	_ =	shalt  }
0x46: {  	_ =	shalt  }
0x47: {  	_ =	shalt  }
0x48: {  	_ =	shalt  }
0x49: {  	_ =	shalt  }
0x4a: {  	_ =	shalt  }
0x4b: {  	_ =	shalt  }
0x4c: {  	_ =	shalt  }
0x4d: {  	_ =	shalt  }
0x4e: {  	_ =	shalt  }
0x4f: {  	_ =	shalt  }
0x50: {  	_ =	shalt  }
0x51: {  	_ =	shalt  }
0x52: {  	_ =	shalt  }
0x53: {  	_ =	shalt  }
0x54: {  	_ =	shalt  }
0x55: {  	_ =	shalt  }
0x56: {  	_ =	shalt  }
0x57: {  	_ =	shalt  }
0x58: {  	_ =	shalt  }
0x59: {  	_ =	shalt  }
0x5a: {  	_ =	shalt  }
0x5b: {  	_ =	shalt  }
0x5c: {  	_ =	shalt  }
0x5d: {  	_ =	shalt  }
0x5e: {  	_ =	shalt  }
0x5f: {  	_ =	shalt  }
0x60: {  	_ =	shalt  }
0x61: {  	_ =	shalt  }
0x62: {  	_ =	shalt  }
0x63: {  	_ =	shalt  }
0x64: {  	_ =	shalt  }
0x65: {  	_ =	shalt  }
0x66: {  	_ =	shalt  }
0x67: {  	_ =	shalt  }
0x68: {  	_ =	shalt  }
0x69: {  	_ =	shalt  }
0x6a: {  	_ =	shalt  }
0x6b: {  	_ =	shalt  }
0x6c: {  	_ =	shalt  }
0x6d: {  	_ =	shalt  }
0x6e: {  	_ =	shalt  }
0x6f: {  	_ =	shalt  }
0x70: {  	_ =	shalt  }
0x71: {  	_ =	shalt  }
0x72: {  	_ =	shalt  }
0x73: {  	_ =	shalt  }
0x74: {  	_ =	shalt  }
0x75: {  	_ =	shalt  }
0x76: {  	_ =	shalt  }
0x77: {  	_ =	shalt  }
0x78: {  	_ =	shalt  }
0x79: {  	_ =	shalt  }
0x7a: {  	_ =	shalt  }
0x7b: {  	_ =	shalt  }
0x7c: {  	_ =	shalt  }
0x7d: {  	_ =	shalt  }
0x7e: {  	_ =	shalt  }
0x7f: {  	_ =	shalt  }
0x80: {  	_ =	shalt  }
0x81: {  	_ =	shalt  }
0x82: {  	_ =	shalt  }
0x83: {  	_ =	shalt  }
0x84: {  	_ =	shalt  }
0x85: {  	_ =	shalt  }
0x86: {  	_ =	shalt  }
0x87: {  	_ =	shalt  }
.Lfunc_end0:
.L_simem_size_0:
called_computation.2_lowered:
.L_overlay_start_0:
0x88: {  	s2 =	sld [smem:$0x3FD9]  }
0x89: {  	s3 =	sld [smem:$0x3FFE];
	_ =	sdelay $0x1  }
0x8a: {  	s1 =	srdreg.scid  }
0x8b: {  	s0 =	sand.u32 $0x1, s1  }
0x8c: {  	s16 =	sshll.u32 s0, $0xA;
	s2 =	sadd.s32 s3, s2  }
0x8d: {  	s2 =	sadd.s32 s2, s16  }
0x8e: {  	[smem:$0x3FB9] =	sst s2  }
0x8f: {  	_ = 	snop  }
0x90: {  	(tm) =	ssettm $0x1  }
0x91: {  	s17 =	sld [smem:$0x3FFB];
	_ =	sdelay $0x3  }
0x92: {  	_ =	strace s17  }
0x93: {  	s2 =	sld [smem:$0x3FFC];
	_ =	sdelay $0x3  }
0x94: {  	_ =	strace s2  }
0x95: {  	s2 =	sld [smem:$0x3FFD];
	_ =	sdelay $0x3  }
0x96: {  	_ =	strace s2  }
0x97: {  	_ =	strace $0x8FFFFFFF  }
0x98: {  	s18 =	sld [smem:$0x3FDB];
	_ =	sdelay $0x1  }
0x99: {  	s19 =	simm.s32 $_scs_section_size  }
0x9a: {  	s4 =	simm.s32 $_size__tile_overlayer_lowered;
	s5 =	simm.s32 $_tile_overlayer_lowered  }
0x9b: {  	s22 =	simm.s32 $0x1BFF;
	s21 =	sshll.u32 s5, $0x1;
	s2 =	sadd.s32 s19, s18  }
0x9c: {  	s6 =	simm.s32 $0x0;
	s20 =	sshll.u32 s4, $0x1;
	s4 =	sadd.s32 s21, s2  }
0x9d: {  	[timem:s6], [sflag:s22] =	dma.local [hbm:s4], s20  }
0x9e: {  	_ =	swait.ge [sflag:s22], s20  }
0x9f: {  	s3 =	ssub.s32 $0x0, s20;
	[sflag:s22] =	ssyncset.done $0x0  }
0xa0: {  	[sflag:s22] =	ssyncadd.s32 s3;
	_ =	sdelay $0x1  }
0xa1: {  	s23 =	simm.s32 $0x1B8B  }
0xa2: {  	_ =	swait.ge [sflag:s23], $0x1  }
0xa3: {  	[sflag:s23] =	ssyncset.done $0x0  }
0xa4: {  	s25 =	simm.s32 $0x1B8E;
	s24 =	sld [smem:$0x3FFE];
	[sflag:s23] =	ssyncadd.s32 $0xFFFFFFFF  }
0xa5: {  	s26 =	simm.s32 $execute0_lowered;
	[smem:$0x3FD2] =	sst s25  }
0xa6: {  	s4 =	sshll.u32 s26, $0x1;
	_ =	strace $0x8000004C;
	[dreg:$0x1] =	wrdreg $0xFFFFFFFF  }
0xa7: {  	s28 =	simm.s32 $_size_execute0_lowered;
	s2 =	sadd.s32 s2, s4;
	[dreg:$0x0] =	wrdreg $0x0  }
0xa8: {  	s4 =	sshll.u32 s28, $0x1;
	[dreg:$0x2] =	wrdreg s2  }
0xa9: {  	[dreg:$0x3] =	wrdreg s4  }
0xaa: {  	[dreg:$0x4] =	wrdreg $0xC0  }
0xab: {  	_ =	task [dreg:s6], $0x5FFFF  }
0xac: {  	[dreg:$0x1] =	wrdreg $0xFFFFFFFF  }
0xad: {  	[dreg:$0x0] =	wrdreg $0x60  }
0xae: {  	[dreg:$0x2] =	wrdreg s24  }
0xaf: {  	[dreg:$0x3] =	wrdreg $0x60000  }
0xb0: {  	[dreg:$0x4] =	wrdreg $0x87800  }
0xb1: {  	[dreg:$0x5] =	wrdreg $0x9  }
0xb2: {  	_ =	task.clear_ibuf [dreg:s6], $0x6FFFF;
	_ =	strace $0x9000004C  }
0xb3: {  	s29 =	simm.s32 $0x9;
	_ =	strace $0x8000004E  }
0xb4: {  	_ =	swait.ge [sflag:s29], $0x1  }
0xb5: {  	[sflag:s29] =	ssyncadd.s32 $0xFFFFFFFF  }
0xb6: {  	_ =	strace $0x9000004E  }
0xb7: {  	_ =	sfence  }
0xb8: {  	s30 =	sld [smem:$0x0];
	_ =	sdelay $0x2  }
0xb9: {  	s31 =	sshll.u32 s1, $0xD;
	s1 =	sshrl.u32 s1, $0x2  }
0xba: {  	s3 =	sand.u32 $0x4000, s31;
	s1 =	sadd.s32 s1, s30  }
0xbb: {  	s0 =	sor.u32 s3, s0;
	s1 =	sshll.u32 s1, $0x11  }
0xbc: {  	s0 =	sor.u32 s1, s0  }
0xbd: {  	s0 =	sadd.s32 $0x8F2B, s0  }
0xbe: {  	[sflag:s0] =	ssyncadd.remote.s32 $0x1  }
0xbf: {  	_ =	sfence.sel $0xFFFF  }
0xc0: {  	[dreg:$0x0] =	wrdreg $0xFFFFFFFF;
	(pc) =	sbr.abs _section_cstart, $3  }
0xc1: {  	[dreg:$0x1] =	wrdreg $0xFFFFFFFF  }
0xc2: {  	_ =	task.clear_ibuf [dreg:s6], $0x2FFFF;
	_ =	strace $0x9FFFFFFF  }
0xc3: {  	(tm) =	ssettm $0x7FFFFFFF  }
tec
execute0_lowered:
.L_overlay_start_1:
0x0: {  	(tag) =	ssettag $0x1  }
0x1: {  	s4 =	rddreg [dreg:$0x0]  }
0x2: {  	s1 =	rddreg [dreg:$0x1]  }
0x3: {  	s2 =	rddreg [dreg:$0x2]  }
0x4: {  	s14 =	stileid.u32;
	s0 =	rddreg [dreg:$0x3];
	s3 =	simm.s32 $0x0  }
0x5: {  	s5 =	srdreg.scid;
	s18 =	simm.s32 $0x100;
	s19 =	simm.s32 $0x5000  }
0x6: {  	s20 =	simm.s32 $0x2;
	s21 =	simm.s32 $0x0;
	s9 =	smul.u32 $0x2720, s14  }
0x7: {  	[smem:$0x7FF] =	sst s3;
	s7 =	smul.u32 $0x2780, s14;
	s8 =	sand.u32 $0x1, s5  }
0x8: {  	s11 =	sadd.s32 $0x2600, s4;
	s12 =	sshll.u32 s14, $0x1;
	p0 =	sne.s32 s14, $0x0  }
0x9: {  	_ =	strace $0x8000004D;
	s5 =	smul.u32 $0x27800, s8;
	s13 =	ssub.s32 $0x2, s8  }
0xa: {  	s12 =	sor.u32 s8, s12;
	s31 =	sshll.u32 s8, $0x5;
	s6 =	sshrl.u32 s9, $0x3  }
0xb: {  	s28 =	sshrl.u32 s7, $0x3;
	s15 =	sshrl.u32 s13, $0x1;
	s12 =	smul.u32 $0x2700, s12  }
0xc: {  	s29 =	sadd.s32 s7, s1;
	s17 =	sadd.s32 s9, s2;
	s10 =	sadd.s32 s6, s4  }
0xd: {  	s5 =	sadd.s32 s7, s5;
	s6 =	sadd.s32 s28, s4;
	s13 =	ssub.s32 s13, s15  }
0xe: {  	s15 =	simm.s32 $0x2800;
	s5 =	sshrl.u32 s5, $0x3;
	s30 =	sshrl.u32 s12, $0x3  }
0xf: {  	s9 =	sadd.s32 $0x16000, s10;
	s13 =	smax.u32 s13, $0x1;
	s16 =	sadd.s32 s5, s4  }
0x10: {  	s4 =	sadd.s32 $0x1B000, s6;
	s5 =	sshll.u32 s14, $0x6;
	s6 =	sadd.s32 s11, s30  }
0x11: {  	s11 =	sadd.s32 s31, s11;
	s14 =	sshrl.u32 s29, $0x3;
	s7 =	sor.u32 $0x1C01, s5  }
0x12: {  	s8 =	sadd.s32 $0x9C40, s6;
	s10 =	sadd.s32 $0x9C00, s11;
	s11 =	sadd.s32 $0x13840, s11  }
0x13: {  	s12 =	sadd.s32 $0x20000, s16;
	s16 =	sshrl.u32 s17, $0x3;
	s17 =	simm.s32 $0x1  }
.LBB2_1:
0x14: {  	[spmem:s14], [sflag:s7] =	dma.local [hbm:s4], $0x4F0  }
0x15: {  	[tilespmem:s3], [sflag:$0x1] =	stream.linear.gather [hbm4b:s6+s3], $0x2700, $0x38;
	[tilespmem:$0xAEA0] =	vst v63  }
0x16: {  	s22 =	simm.s32 @!p0 $0x0;
	s23 =	simm.s32 @!p0 $0x2700  }
0x17: {  	[tilespmem:s15], [sflag:$0x1] =	stream.linear.gather [hbm4b:s8+s3], $0x2700, $0x38;
	[tilespmem:$0xAEA0] =	vst v63  }
0x18: {  	[spmem:s16], [sflag:s7] =	dma.local [hbm:s9], $0x4E4  }
0x19: {  	[tilespmem:s23], [sflag:$0x2] =	stream.linear.gather @!p0 [hbm4b:s10+s22], $0x100, $0x38;
	[tilespmem:$0xAEA0] =	vst v63  }
0x1a: {  	s23 =	simm.s32 @!p0 $0x2  }
0x1b: {  	_ =	swait.ge @!p0 [sflag:s23], $0x100  }
0x1c: {  	[sflag:s23] =	ssyncset.done @!p0 $0x0  }
0x1d: {  	s24 =	simm.s32 @!p0 $0x4F00;
	[sflag:s23] =	ssyncadd.s32 @!p0 $0xFFFFFF00  }
0x1e: {  	[tilespmem:s24], [sflag:$0x2] =	stream.linear.gather @!p0 [hbm4b:s11+s22], $0x100, $0x38;
	[tilespmem:$0xAEA0] =	vst v63  }
0x1f: {  	_ =	swait.ge @!p0 [sflag:s23], $0x100  }
0x20: {  	[sflag:s23] =	ssyncset.done @!p0 $0x0  }
0x21: {  	[sflag:s23] =	ssyncadd.s32 @!p0 $0xFFFFFF00  }
0x22: {  	_ =	swait.ge [sflag:s17], $0x4F0  }
0x23: {  	[sflag:s17] =	ssyncset.done $0x0  }
0x24: {  	[sflag:s17] =	ssyncadd.s32 $0xFFFFFB10  }
0x25: {  	_ =	swait.ge [sflag:s17], $0x2700  }
0x26: {  	[sflag:s17] =	ssyncset.done $0x0  }
0x27: {  	[sflag:s17] =	ssyncadd.s32 $0xFFFFD900  }
0x28: {  	_ =	swait.ge [sflag:s17], $0x2700  }
0x29: {  	[sflag:s17] =	ssyncset.done $0x0  }
0x2a: {  	[sflag:s17] =	ssyncadd.s32 $0xFFFFD900  }
0x2b: {  	_ =	swait.ge [sflag:s17], $0x4E4  }
0x2c: {  	[sflag:s17] =	ssyncset.done $0x0  }
0x2d: {  	s22 =	simm.s32 @!p0 $0x28;
	[sflag:s17] =	ssyncadd.s32 $0xFFFFFB1C  }
0x2e: {  	s22 =	simm.s32 @p0 $0x27;
	[bflag:$0x0] =	sbarrier.arrive $0xFFFF  }
0x2f: {  	[tilespmem:s19], [sflag:$0x1] =	stream.indirect.gather [spmem:s2], $0x10, s3, s18, $0xb8;
	[tilespmem:$0xAEA0] =	vst v63  }
0x30: {  	p1 =	sne.s32 s22, $0x1;
	_ =	swait.ge [sflag:s17], $0x1000  }
.Ltmp0:
0x31: {  	[sflag:s17] =	ssyncset.done $0x0;
	(pc) =	sbr.rel @!p1 .LBB2_3-.Ltmp0, $4  }
0x32: {  	[sflag:s17] =	ssyncadd.s32 $0xFFFFF000  }
0x33: {  	[spmem:s1] =	stream.indirect.scatter.add.f32 [tilespmem:s19], [sflag:$0x2], $0x10, s15, s18, $0xb8;
	[tilespmem:$0xAEA0] =	vst v63  }
0x34: {  	s24 =	simm.s32 $0x2800;
	_ =	swait.ge [sflag:s20], $0x1000  }
0x35: {  	s22 =	sadd.s32 $0xFFFFFFFF, s22;
	s23 =	simm.s32 $0x0;
	[sflag:s20] =	ssyncset.done $0x0  }
.LBB2_2:
0x36: {  	[sflag:s20] =	ssyncadd.s32 $0xFFFFF000;
	s23 =	sadd.s32 $0x100, s23;
	s24 =	sadd.s32 $0x100, s24  }
0x37: {  	[tilespmem:s19], [sflag:$0x1] =	stream.indirect.gather [spmem:s2], $0x10, s23, s18, $0xb8;
	[tilespmem:$0xAEA0] =	vst v63  }
0x38: {  	p1 =	sne.s32 s22, $0x1;
	s22 =	sadd.s32 $0xFFFFFFFF, s22;
	_ =	swait.ge [sflag:s17], $0x1000  }
.Ltmp1:
0x39: {  	[sflag:s17] =	ssyncset.done $0x0;
	(pc) =	sbr.rel @p1 .LBB2_2-.Ltmp1, $4  }
0x3a: {  	[sflag:s17] =	ssyncadd.s32 $0xFFFFF000  }
0x3b: {  	[spmem:s1] =	stream.indirect.scatter.add.f32 [tilespmem:s19], [sflag:$0x2], $0x10, s24, s18, $0xb8;
	[tilespmem:$0xAEA0] =	vst v63  }
0x3c: {  	_ =	swait.ge [sflag:s20], $0x1000  }
0x3d: {  	[sflag:s20] =	ssyncset.done $0x0  }
.LBB2_3:
0x3e: {  	s21 =	sadd.s32 $0x1, s21  }
0x3f: {  	[sflag:s20] =	ssyncadd.s32 $0xFFFFF000;
	p1 =	sne.s32 s21, s13  }
.Ltmp2:
0x40: {  	s22 =	sor.u32 $0x1C02, s5;
	[bflag:$0x0] =	sbarrier.arrive $0xFFFF;
	(pc) =	sbr.rel @p1 .LBB2_1-.Ltmp2, $4  }
0x41: {  	[hbm:s12], [sflag:s22] =	dma.local [spmem:s14], $0x4F0  }
0x42: {  	_ =	swait.ge [sflag:s20], $0x4F0  }
0x43: {  	[sflag:s20] =	ssyncset.done $0x0  }
0x44: {  	[sflag:s20] =	ssyncadd.s32 $0xFFFFFB10  }
0x45: {  	_ =	sfence.sel $0x180000  }
0x46: {  	[bflag:$0x0] =	sbarrier.arrive $0xFFFF  }
0x47: {  	_ =	strace $0x9000004D  }
0x48: {  	s0 =	sadd.s32 @!p0 $0x100000, s0;
	[bflag:$0x2] =	sbarrier.arrive $0xFFFF  }
0x49: {  	[sflag:s0] =	ssyncadd.tile.s32 @!p0 $0x1;
	_ =	shalt  }
.Lfunc_end2:
_tile_overlayer_lowered:
.L_overlay_start_2:
0x4a: {  	(tag) =	ssettag $0x2  }
0x4b: {  	s0 =	rddreg [dreg:$0x0];
	s2 =	stileid.u32  }
0x4c: {  	s1 =	rddreg [dreg:$0x1];
	p0 =	sne.s32 s2, $0x0  }
0x4d: {  	s3 =	rddreg [dreg:$0x2];
	[bflag:$0x3] =	sbarrier.arrive $0xFFFF;
	s2 =	simm.s32 @!p0 $0x1C02  }
0x4e: {  	[timem:s3], [sflag:s2] =	dma.local @!p0 [hbm:s0], s1  }
0x4f: {  	s0 =	simm.s32 @!p0 $0x2  }
0x50: {  	_ =	swait.ge @!p0 [sflag:s0], s1  }
0x51: {  	s1 =	ssub.s32 @!p0 $0x0, s1;
	[sflag:s0] =	ssyncset.done @!p0 $0x0  }
0x52: {  	[sflag:s0] =	ssyncadd.s32 @!p0 s1  }
0x53: {  	[bflag:$0x3] =	sbarrier.arrive $0xFFFF  }
0x54: {  	_ =	shalt  }

</sc_bundles>
